<compile_context>
chip_gen: v7x
topology: tpu7x:2x2x1
jax: 0.10.2.dev20260603
libtpu: 0.0.44.dev20260713+nightly
codegen_flags: <defaults>
</compile_context>

<pallas_src>
import functools

import numpy as np
import jax
import jax.numpy as jnp
from jax import lax
from jax.experimental import pallas as pl
from jax.experimental.pallas import tpu as pltpu
from jax.experimental.pallas import tpu_sc as plsc

_B = 16384
_NF = 26
_D = 16
_DIN = _NF * _D
_NPAIRS = _NF * (_NF - 1) // 2
_V = 2600000

_NC, _NS = 2, 16
_NW = _NC * _NS
_BPW = _B // _NW
_CH = 128
_NCH = _BPW // _CH
_ROWS = _CH * _NF

_CW = 1024
_NCHUNK = _V // _CW
_NITER6 = 84
_TAILC = _V - _NCHUNK * _CW

_bB = 1024
_NB = _B // _bB

_OFFSETS = (100000 * np.arange(_NF, dtype=np.int32))
_I1, _I2 = np.triu_indices(_NF, k=1)


def _tr_body(w2t_h, tail_h, out_h, ab0, ab1, ab2, o0, o1,
             si0, si1, si2, so0, so1):
    wid = lax.axis_index("s") * _NC + lax.axis_index("c")
    abs_ = (ab0, ab1, ab2)
    os_ = (o0, o1)
    sis = (si0, si1, si2)
    sos = (so0, so1)

    def start_in(cid, b):
        @pl.when(cid < _NCHUNK)
        def _():
            c0 = pl.multiple_of(cid * _CW, 128)
            pltpu.async_copy(w2t_h.at[:, pl.ds(c0, _CW)], abs_[b], sis[b])

    def wait_in(cid, b):
        @pl.when(cid < _NCHUNK)
        def _():
            pltpu.make_async_copy(w2t_h.at[:, pl.ds(0, _CW)],
                                  abs_[b], sis[b]).wait()

    def wait_out(cid, b):
        @pl.when(jnp.logical_and(cid >= 0, cid < _NCHUNK))
        def _():
            pltpu.make_async_copy(os_[b], out_h.at[pl.ds(0, _CW * _D)],
                                  sos[b]).wait()

    def scatter(bi, bo):
        ab_v, o_v = abs_[bi], os_[bo]

        def scat(g, carry):
            o = g * 16
            rows = (lax.iota(jnp.int32, 16) + o) * _D
            for d in range(_D):
                v = ab_v[d, pl.ds(o, 16)]
                plsc.store_scatter(o_v, [rows + d], v)
            return carry

        lax.fori_loop(0, _CW // 16, scat, 0)

    def half(cid, b):
        wait_in(cid, b)
        start_in(cid + _NW, 1 - b)
        wait_out(cid - 2 * _NW, b)

        @pl.when(cid < _NCHUNK)
        def _():
            scatter(b, b)
            c0 = pl.multiple_of(cid * _CW, 128)
            pltpu.async_copy(os_[b], out_h.at[pl.ds(c0 * _D, _CW * _D)],
                             sos[b])

    start_in(wid, 0)

    def body2(t, carry):
        i0 = 2 * t
        half(wid + i0 * _NW, 0)
        half(wid + (i0 + 1) * _NW, 1)
        return carry

    lax.fori_loop(0, _NITER6 // 2, body2, 0)
    wait_out(wid + (_NITER6 - 2) * _NW, 0)
    wait_out(wid + (_NITER6 - 1) * _NW, 1)

    @pl.when(wid == 0)
    def _():
        pltpu.sync_copy(tail_h, o0.at[pl.ds(0, _TAILC * _D)])
        pltpu.sync_copy(o0.at[pl.ds(0, _TAILC * _D)],
                        out_h.at[pl.ds(_NCHUNK * _CW * _D, _TAILC * _D)])


def _sc_transpose(w2t, tail1d):
    mesh = plsc.VectorSubcoreMesh(core_axis_name="c", subcore_axis_name="s")
    kfn = functools.partial(
        pl.kernel, mesh=mesh,
        compiler_params=pltpu.CompilerParams(use_tc_tiling_on_sc=True,
                                             needs_layout_passes=False),
        out_type=jax.ShapeDtypeStruct((_V * _D,), jnp.float32),
        scratch_types=[
            pltpu.VMEM((_D, _CW), jnp.float32),
            pltpu.VMEM((_D, _CW), jnp.float32),
            pltpu.VMEM((_D, _CW), jnp.float32),
            pltpu.VMEM((_CW * _D,), jnp.float32),
            pltpu.VMEM((_CW * _D,), jnp.float32),
            pltpu.SemaphoreType.DMA,
            pltpu.SemaphoreType.DMA,
            pltpu.SemaphoreType.DMA,
            pltpu.SemaphoreType.DMA,
            pltpu.SemaphoreType.DMA,
        ],
    )(_tr_body)
    return kfn(w2t, tail1d)


def _sc_body(W2_h, idx2_h, W1_h, idx1_h, h_out, e1_out,
             idx_v, rows_v, idx1_v, vals_v, acc_v, sem):
    wid = lax.axis_index("s") * _NC + lax.axis_index("c")
    base = wid * _BPW
    for c in range(_NCH):
        i0 = (base + c * _CH) * _NF
        pltpu.sync_copy(idx2_h.at[pl.ds(i0, _ROWS)], idx_v)
        pltpu.async_copy(W2_h.at[idx_v], rows_v, sem).wait()
        pltpu.sync_copy(rows_v, h_out.at[pl.ds(i0, _ROWS)])
    pltpu.sync_copy(idx1_h.at[wid], idx1_v)
    pltpu.async_copy(W1_h.at[idx1_v], vals_v, sem).wait()

    def red(c2, carry):
        o = c2 * 16
        s = vals_v[pl.ds(o, 16)]
        for f in range(1, _NF):
            s = s + vals_v[pl.ds(f * _BPW + o, 16)]
        acc_v[pl.ds(o, 16)] = s
        return carry

    lax.fori_loop(0, _BPW // 16, red, 0)
    pltpu.sync_copy(acc_v, e1_out.at[pl.ds(base, _BPW)])


def _sc_gather(W2row, idx2, W1v, idx1):
    mesh = plsc.VectorSubcoreMesh(core_axis_name="c", subcore_axis_name="s")
    kfn = functools.partial(
        pl.kernel, mesh=mesh,
        compiler_params=pltpu.CompilerParams(use_tc_tiling_on_sc=False),
        out_type=[jax.ShapeDtypeStruct((_B * _NF, _D), jnp.float32),
                  jax.ShapeDtypeStruct((_B,), jnp.float32)],
        scratch_types=[
            pltpu.VMEM((_ROWS,), jnp.int32),
            pltpu.VMEM((_ROWS, _D), jnp.float32),
            pltpu.VMEM((_NF * _BPW,), jnp.int32),
            pltpu.VMEM((_NF * _BPW,), jnp.float32),
            pltpu.VMEM((_BPW,), jnp.float32),
            pltpu.SemaphoreType.DMA,
        ],
    )(_sc_body)
    return kfn(W2row, idx2, W1v, idx1)


def _tc_body(h_ref, e1_ref, w1_ref, wb_ref, l2_ref, g1_ref, b1_ref,
             g2_ref, b2_ref, m3_ref, scl_ref, out_ref,
             pre1_s, pre2_s, cross_s, st1, st2):
    p = pl.program_id(0)
    j = pl.program_id(1)

    @pl.when(p == 0)
    def _p0():
        h = h_ref[...]
        pre1 = jnp.dot(h, w1_ref[...], preferred_element_type=jnp.float32)
        g = jnp.dot(h, wb_ref[...], preferred_element_type=jnp.float32)
        cross_s[pl.ds(j * _bB, _bB), :] = 0.5 * jnp.sum(h * g, axis=1,
                                                        keepdims=True)
        pre1_s[pl.ds(j * _bB, _bB), :] = pre1

        @pl.when(j == 0)
        def _z1():
            st1[...] = jnp.zeros((2, 128), jnp.float32)

        st1[...] += jnp.concatenate(
            [jnp.sum(pre1, 0, keepdims=True),
             jnp.sum(pre1 * pre1, 0, keepdims=True)], axis=0)

    @pl.when(p == 1)
    def _p1():
        mu = st1[0:1, :] * (1.0 / _B)
        var = st1[1:2, :] * (1.0 / _B) - mu * mu
        sc = g1_ref[...] * lax.rsqrt(var + 1e-5)
        pre1 = pre1_s[pl.ds(j * _bB, _bB), :]
        h1 = jnp.maximum((pre1 - mu) * sc + b1_ref[...], 0.0)
        pre2 = jnp.dot(h1, l2_ref[...], preferred_element_type=jnp.float32)
        pre2_s[pl.ds(j * _bB, _bB), :] = pre2

        @pl.when(j == 0)
        def _z2():
            st2[...] = jnp.zeros((2, 64), jnp.float32)

        st2[...] += jnp.concatenate(
            [jnp.sum(pre2, 0, keepdims=True),
             jnp.sum(pre2 * pre2, 0, keepdims=True)], axis=0)

    @pl.when(p == 2)
    def _p2():
        mu2 = st2[0:1, :] * (1.0 / _B)
        var2 = st2[1:2, :] * (1.0 / _B) - mu2 * mu2
        sc2 = g2_ref[...] * lax.rsqrt(var2 + 1e-5)
        pre2 = pre2_s[pl.ds(j * _bB, _bB), :]
        h2 = jnp.maximum((pre2 - mu2) * sc2 + b2_ref[...], 0.0)
        deep = jnp.sum(h2 * m3_ref[...], axis=1, keepdims=True)
        logit = (deep + e1_ref[...] * scl_ref[0:1, 0:1]
                 + cross_s[pl.ds(j * _bB, _bB), :] + scl_ref[0:1, 1:2])
        out_ref[...] = (1.0 / (1.0 + jnp.exp(-logit)))[None]


def _tc_dense(h2d, e1c, w1mat, Wbig, l2wT, g1, b1, g2, b2, m3row, scl):
    z2 = lambda p, j: (0, 0)
    return pl.pallas_call(
        _tc_body,
        grid=(3, _NB),
        in_specs=[
            pl.BlockSpec((_bB, _DIN), lambda p, j: (jnp.where(p == 0, j, 0), 0)),
            pl.BlockSpec((_bB, 1), lambda p, j: (jnp.where(p == 2, j, 0), 0)),
            pl.BlockSpec((_DIN, 128), z2),
            pl.BlockSpec((_DIN, _DIN), z2),
            pl.BlockSpec((128, 64), z2),
            pl.BlockSpec((1, 128), z2),
            pl.BlockSpec((1, 128), z2),
            pl.BlockSpec((1, 64), z2),
            pl.BlockSpec((1, 64), z2),
            pl.BlockSpec((1, 64), z2),
            pl.BlockSpec((1, 2), z2),
        ],
        out_specs=pl.BlockSpec((1, _bB, 1), lambda p, j: (p, j, 0)),
        out_shape=jax.ShapeDtypeStruct((3, _B, 1), jnp.float32),
        scratch_shapes=[
            pltpu.VMEM((_B, 128), jnp.float32),
            pltpu.VMEM((_B, 64), jnp.float32),
            pltpu.VMEM((_B, 1), jnp.float32),
            pltpu.VMEM((2, 128), jnp.float32),
            pltpu.VMEM((2, 64), jnp.float32),
        ],
    )(h2d, e1c, w1mat, Wbig, l2wT, g1, b1, g2, b2, m3row, scl)


def kernel(x, W1, W2, l1w, l1b, bn1g, bn1b, l2w, l2b, bn2g, bn2b,
           l3w, l3b, outw, outb):
    offs = jnp.asarray(_OFFSETS)
    xo = x + offs[None, :]
    idx2 = xo.reshape(_B * _NF)
    idx1 = xo.reshape(_NW, _BPW, _NF).transpose(0, 2, 1).reshape(_NW, _NF * _BPW)
    W1v = W1.reshape(-1)

    tail1d = W2[_NCHUNK * _CW:, :].reshape(_TAILC * _D)
    W2row = _sc_transpose(W2.T, tail1d).reshape(_V, _D)

    h_flat, e1 = _sc_gather(W2row, idx2, W1v, idx1)
    h2d = h_flat.reshape(_B, _DIN)

    wc = outw[0, 1:1 + _NPAIRS]
    Wsym = (jnp.zeros((_NF, _NF), jnp.float32)
            .at[_I1, _I2].set(wc).at[_I2, _I1].set(wc))
    Wbig = jnp.kron(Wsym, jnp.eye(_D, dtype=jnp.float32))
    w1mat = l1w.T
    l2wT = l2w.T
    wd = outw[0, 1 + _NPAIRS:]
    m3row = (l3w.T @ wd).reshape(1, 64)
    c0 = outb[0] + jnp.dot(l3b, wd)
    scl = jnp.stack([outw[0, 0], c0]).reshape(1, 2)

    out = _tc_dense(h2d, e1.reshape(_B, 1), w1mat, Wbig, l2wT,
                    bn1g.reshape(1, 128), bn1b.reshape(1, 128),
                    bn2g.reshape(1, 64), bn2b.reshape(1, 64), m3row, scl)
    return out[2].reshape(_B)

# --- scband reference (transcript-rebuilt; emitter-appended) ---
"""Pipeline reference for scband-deep-fm-39470749450770 (READ-ONLY COPY).

The authoritative reference and input builder live on the scoring server;
editing this copy changes nothing except your own understanding.
"""

import jax, jax.numpy as jnp
import numpy as np

FIELD_DIMS = [100000] * 26
EMBED_DIM = 16
BATCH = 16384


def setup_inputs(seed: int = 0) -> dict:
    key = jax.random.key(seed)
    ks = jax.random.split(key, 12)
    nf = len(FIELD_DIMS)
    total = sum(FIELD_DIMS)
    d_in = EMBED_DIM * nf
    n_cross = nf * (nf - 1) // 2
    inp = {}
    inp['x'] = jax.random.randint(ks[0], (BATCH, nf), 0, FIELD_DIMS[0], dtype=jnp.int32)
    inp['W1'] = jax.random.normal(ks[1], (total, 1), dtype=jnp.float32) * 0.05
    inp['W2'] = jax.random.normal(ks[2], (total, EMBED_DIM), dtype=jnp.float32) * 0.05
    inp['l1w'] = jax.random.normal(ks[3], (128, d_in), dtype=jnp.float32) * 0.05
    inp['l1b'] = jnp.zeros((128,), jnp.float32)
    inp['bn1g'] = jnp.ones((128,), jnp.float32)
    inp['bn1b'] = jnp.zeros((128,), jnp.float32)
    inp['l2w'] = jax.random.normal(ks[4], (64, 128), dtype=jnp.float32) * 0.05
    inp['l2b'] = jnp.zeros((64,), jnp.float32)
    inp['bn2g'] = jnp.ones((64,), jnp.float32)
    inp['bn2b'] = jnp.zeros((64,), jnp.float32)
    inp['l3w'] = jax.random.normal(ks[5], (32, 64), dtype=jnp.float32) * 0.05
    inp['l3b'] = jnp.zeros((32,), jnp.float32)
    inp['outw'] = jax.random.normal(ks[6], (1, 1 + n_cross + 32), dtype=jnp.float32) * 0.05
    inp['outb'] = jnp.zeros((1,), jnp.float32)
    return inp


def _bn(h, g, b):
    m = jnp.mean(h, axis=0)
    v = jnp.var(h, axis=0)
    return (h - m) / jnp.sqrt(v + 1e-5) * g + b


def reference(x, W1, W2, l1w, l1b, bn1g, bn1b, l2w, l2b, bn2g, bn2b, l3w, l3b, outw, outb):
    nf = len(FIELD_DIMS)
    offsets = jnp.asarray(np.concatenate([[0], np.cumsum(FIELD_DIMS)[:-1]]).astype(np.int32))
    xo = x + offsets[None, :]
    e2 = jnp.take(W2, xo, axis=0)  # [B, nf, D]
    i1, i2 = [], []
    for i in range(nf):
        for j in range(i + 1, nf):
            i1.append(i)
            i2.append(j)
    i1 = jnp.asarray(np.array(i1, dtype=np.int32))
    i2 = jnp.asarray(np.array(i2, dtype=np.int32))
    cross = jnp.sum(e2[:, i1] * e2[:, i2], axis=-1)  # [B, n_cross]
    h = e2.reshape(x.shape[0], -1)
    h = jax.nn.relu(_bn(h @ l1w.T + l1b, bn1g, bn1b))
    h = jax.nn.relu(_bn(h @ l2w.T + l2b, bn2g, bn2b))
    deep = h @ l3w.T + l3b  # [B, 32]
    e1 = jnp.take(W1, xo, axis=0).sum(axis=1)  # [B, 1]
    stacked = jnp.concatenate([e1, cross, deep], axis=1)
    out = jax.nn.sigmoid(stacked @ outw.T + outb)
    return out.squeeze()

if __name__ == "__main__":
    import jax
    _d = setup_inputs()
    print(jax.jit(kernel)(*tuple(_d.values())))

</pallas_src>

<mosaic_0001>
#map = affine_map<(d0, d1) -> (0, 0)>
#map1 = affine_map<(d0, d1) -> (0)>
module attributes {stable_mosaic.version = 14 : i64} {
  func.func @_tr_body(%arg0: i32, %arg1: i32, %arg2: memref<16x2600000xf32, #tpu.memory_space<hbm>>, %arg3: memref<1024xf32, #tpu.memory_space<hbm>>, %arg4: memref<41600000xf32, #tpu.memory_space<hbm>>, %arg5: memref<16x1024xf32, #tpu.memory_space<vmem>>, %arg6: memref<16x1024xf32, #tpu.memory_space<vmem>>, %arg7: memref<16x1024xf32, #tpu.memory_space<vmem>>, %arg8: memref<16384xf32, #tpu.memory_space<vmem>>, %arg9: memref<16384xf32, #tpu.memory_space<vmem>>, %arg10: memref<!tpu.dma_semaphore, #tpu.memory_space<semaphore_mem>>, %arg11: memref<!tpu.dma_semaphore, #tpu.memory_space<semaphore_mem>>, %arg12: memref<!tpu.dma_semaphore, #tpu.memory_space<semaphore_mem>>, %arg13: memref<!tpu.dma_semaphore, #tpu.memory_space<semaphore_mem>>, %arg14: memref<!tpu.dma_semaphore, #tpu.memory_space<semaphore_mem>>) attributes {dimension_semantics = [#tpu.dimension_semantics<core_parallel>, #tpu.dimension_semantics<subcore_parallel>], iteration_bounds = array<i64: 2, 16>, scalar_prefetch = 0 : i64, scratch_operands = 10 : i64, tpu.core_type = #tpu.core_type<sc_vector_subcore>, window_params = [{transform_indices = #map}, {transform_indices = #map1}, {transform_indices = #map1}]} {
    %mul3A = arith.constant 2 : i32
    %mul3A_0 = arith.muli %arg1, %mul3A : i32
    %add3A = arith.addi %mul3A_0, %arg0 : i32
    %lt3A = arith.constant 2539 : i32
    %lt3A_1 = arith.cmpi slt, %add3A, %lt3A : i32
    %convert_element_type3A = arith.extui %lt3A_1 : i1 to i32
    %cond3A = arith.constant 0 : i32
    %cond3A_2 = arith.cmpi ne, %convert_element_type3A, %cond3A : i32
    scf.if %cond3A_2 {
      %mul3A_30 = arith.constant 1024 : i32
      %mul3A_31 = arith.muli %add3A, %mul3A_30 : i32
      %multiple_of3A = tpu.assume_multiple %mul3A_31, 128 : i32
      %dma_start3A = arith.constant 0 : i32
      %dma_start3A_32 = tpu.memref_slice %arg2[%dma_start3A, %multiple_of3A] : memref<16x2600000xf32, #tpu.memory_space<hbm>> -> memref<16x1024xf32, #tpu.memory_space<hbm>>
      %dma_start3A_33 = arith.constant 0 : i32
      %dma_start3A_34 = tpu.memref_slice %arg2[%dma_start3A_33, %multiple_of3A] : memref<16x2600000xf32, #tpu.memory_space<hbm>> -> memref<16x1024xf32, #tpu.memory_space<hbm>>
      tpu.enqueue_dma source(%dma_start3A_34 : memref<16x1024xf32, #tpu.memory_space<hbm>>) target(%arg5 : memref<16x1024xf32, #tpu.memory_space<vmem>>) target_semaphore(%arg10 : memref<!tpu.dma_semaphore, #tpu.memory_space<semaphore_mem>>)
    } else {
    }
    %scan3A = arith.constant 0 : i32
    %scan3A_3 = arith.constant 0 : i32
    %scan3A_4 = arith.constant 42 : i32
    %scan3A_5 = arith.addi %scan3A_3, %scan3A_4 : i32
    %scan3A_6 = arith.constant 1 : i32
    scf.for %scan3A_30 = %scan3A_3 to %scan3A_5 step %scan3A_6  : i32 {
      %mul3A_31 = arith.constant 2 : i32
      %mul3A_32 = arith.muli %mul3A_31, %scan3A_30 : i32
      %mul3A_33 = arith.constant 32 : i32
      %mul3A_34 = arith.muli %mul3A_32, %mul3A_33 : i32
      %add3A_35 = arith.addi %add3A, %mul3A_34 : i32
      %lt3A_36 = arith.constant 2539 : i32
      %lt3A_37 = arith.cmpi slt, %add3A_35, %lt3A_36 : i32
      %convert_element_type3A_38 = arith.extui %lt3A_37 : i1 to i32
      %cond3A_39 = arith.constant 0 : i32
      %cond3A_40 = arith.cmpi ne, %convert_element_type3A_38, %cond3A_39 : i32
      scf.if %cond3A_40 {
        %dma_wait3A = arith.constant 0 : i32
        %dma_wait3A_94 = arith.constant 0 : i32
        %dma_wait3A_95 = tpu.memref_slice %arg2[%dma_wait3A, %dma_wait3A_94] : memref<16x2600000xf32, #tpu.memory_space<hbm>> -> memref<16x1024xf32, #tpu.memory_space<hbm>>
        %dma_wait3A_96 = arith.constant 0 : i32
        %dma_wait3A_97 = arith.constant 0 : i32
        %dma_wait3A_98 = tpu.memref_slice %arg2[%dma_wait3A_96, %dma_wait3A_97] : memref<16x2600000xf32, #tpu.memory_space<hbm>> -> memref<16x1024xf32, #tpu.memory_space<hbm>>
        tpu.wait_dma2 semaphore(%arg10 : memref<!tpu.dma_semaphore, #tpu.memory_space<semaphore_mem>>) src(%dma_wait3A_98 : memref<16x1024xf32, #tpu.memory_space<hbm>>) dst(%arg5 : memref<16x1024xf32, #tpu.memory_space<vmem>>)
      } else {
      }
      %add3A_41 = arith.constant 32 : i32
      %add3A_42 = arith.addi %add3A_35, %add3A_41 : i32
      %lt3A_43 = arith.constant 2539 : i32
      %lt3A_44 = arith.cmpi slt, %add3A_42, %lt3A_43 : i32
      %convert_element_type3A_45 = arith.extui %lt3A_44 : i1 to i32
      %cond3A_46 = arith.constant 0 : i32
      %cond3A_47 = arith.cmpi ne, %convert_element_type3A_45, %cond3A_46 : i32
      scf.if %cond3A_47 {
        %mul3A_94 = arith.constant 1024 : i32
        %mul3A_95 = arith.muli %add3A_42, %mul3A_94 : i32
        %multiple_of3A = tpu.assume_multiple %mul3A_95, 128 : i32
        %dma_start3A = arith.constant 0 : i32
        %dma_start3A_96 = tpu.memref_slice %arg2[%dma_start3A, %multiple_of3A] : memref<16x2600000xf32, #tpu.memory_space<hbm>> -> memref<16x1024xf32, #tpu.memory_space<hbm>>
        %dma_start3A_97 = arith.constant 0 : i32
        %dma_start3A_98 = tpu.memref_slice %arg2[%dma_start3A_97, %multiple_of3A] : memref<16x2600000xf32, #tpu.memory_space<hbm>> -> memref<16x1024xf32, #tpu.memory_space<hbm>>
        tpu.enqueue_dma source(%dma_start3A_98 : memref<16x1024xf32, #tpu.memory_space<hbm>>) target(%arg6 : memref<16x1024xf32, #tpu.memory_space<vmem>>) target_semaphore(%arg11 : memref<!tpu.dma_semaphore, #tpu.memory_space<semaphore_mem>>)
      } else {
      }
      %sub3A = arith.constant 64 : i32
      %sub3A_48 = arith.subi %add3A_35, %sub3A : i32
      %ge3A_49 = arith.constant 0 : i32
      %ge3A_50 = arith.cmpi sge, %sub3A_48, %ge3A_49 : i32
      %lt3A_51 = arith.constant 2539 : i32
      %lt3A_52 = arith.cmpi slt, %sub3A_48, %lt3A_51 : i32
      %and3A_53 = arith.andi %ge3A_50, %lt3A_52 : i1
      %convert_element_type3A_54 = arith.extui %and3A_53 : i1 to i32
      %cond3A_55 = arith.constant 0 : i32
      %cond3A_56 = arith.cmpi ne, %convert_element_type3A_54, %cond3A_55 : i32
      scf.if %cond3A_56 {
        %dma_wait3A = arith.constant 0 : i32
        %dma_wait3A_94 = tpu.memref_slice %arg4[%dma_wait3A] : memref<41600000xf32, #tpu.memory_space<hbm>> -> memref<16384xf32, #tpu.memory_space<hbm>>
        %dma_wait3A_95 = arith.constant 0 : i32
        %dma_wait3A_96 = tpu.memref_slice %arg4[%dma_wait3A_95] : memref<41600000xf32, #tpu.memory_space<hbm>> -> memref<16384xf32, #tpu.memory_space<hbm>>
        tpu.wait_dma2 semaphore(%arg13 : memref<!tpu.dma_semaphore, #tpu.memory_space<semaphore_mem>>) src(%arg8 : memref<16384xf32, #tpu.memory_space<vmem>>) dst(%dma_wait3A_96 : memref<16384xf32, #tpu.memory_space<hbm>>)
      } else {
      }
      %lt3A_57 = arith.constant 2539 : i32
      %lt3A_58 = arith.cmpi slt, %add3A_35, %lt3A_57 : i32
      %convert_element_type3A_59 = arith.extui %lt3A_58 : i1 to i32
      %cond3A_60 = arith.constant 0 : i32
      %cond3A_61 = arith.cmpi ne, %convert_element_type3A_59, %cond3A_60 : i32
      scf.if %cond3A_61 {
        %scan3A_94 = arith.constant 0 : i32
        %scan3A_95 = arith.constant 0 : i32
        %scan3A_96 = arith.constant 64 : i32
        %scan3A_97 = arith.addi %scan3A_95, %scan3A_96 : i32
        %scan3A_98 = arith.constant 1 : i32
        scf.for %scan3A_105 = %scan3A_95 to %scan3A_97 step %scan3A_98  : i32 {
          %mul3A_106 = arith.constant 16 : i32
          %mul3A_107 = arith.muli %scan3A_105, %mul3A_106 : i32
          %iota3A = tpu.iota {dimensions = array<i32: 0>} : vector<16xi32>
          %add3A_108 = vector.broadcast %mul3A_107 : i32 to vector<16xi32>
          %add3A_109 = arith.addi %iota3A, %add3A_108 : vector<16xi32>
          %mul3A_110 = arith.constant 16 : i32
          %mul3A_111 = vector.broadcast %mul3A_110 : i32 to vector<16xi32>
          %mul3A_112 = arith.muli %add3A_109, %mul3A_111 : vector<16xi32>
          %get3A = arith.constant 0 : i32
          %get3A_113 = arith.index_cast %get3A : i32 to index
          %get3A_114 = arith.index_cast %mul3A_107 : i32 to index
          %get3A_115 = tpu.vector_load %arg5[%get3A_113, %get3A_114] {strides = array<i32>} : memref<16x1024xf32, #tpu.memory_space<vmem>>, vector<16xf32>,
          %add3A_116 = arith.constant 0 : i32
          %add3A_117 = vector.broadcast %add3A_116 : i32 to vector<16xi32>
          %add3A_118 = arith.addi %mul3A_112, %add3A_117 : vector<16xi32>
          tpu.vector_store_idx %arg8[%add3A_118], %get3A_115 : memref<16384xf32, #tpu.memory_space<vmem>>[vector<16xi32>], vector<16xf32>,
          %get3A_119 = arith.constant 1 : i32
          %get3A_120 = arith.index_cast %get3A_119 : i32 to index
          %get3A_121 = arith.index_cast %mul3A_107 : i32 to index
          %get3A_122 = tpu.vector_load %arg5[%get3A_120, %get3A_121] {strides = array<i32>} : memref<16x1024xf32, #tpu.memory_space<vmem>>, vector<16xf32>,
          %add3A_123 = arith.constant 1 : i32
          %add3A_124 = vector.broadcast %add3A_123 : i32 to vector<16xi32>
          %add3A_125 = arith.addi %mul3A_112, %add3A_124 : vector<16xi32>
          tpu.vector_store_idx %arg8[%add3A_125], %get3A_122 : memref<16384xf32, #tpu.memory_space<vmem>>[vector<16xi32>], vector<16xf32>,
          %get3A_126 = arith.constant 2 : i32
          %get3A_127 = arith.index_cast %get3A_126 : i32 to index
          %get3A_128 = arith.index_cast %mul3A_107 : i32 to index
          %get3A_129 = tpu.vector_load %arg5[%get3A_127, %get3A_128] {strides = array<i32>} : memref<16x1024xf32, #tpu.memory_space<vmem>>, vector<16xf32>,
          %add3A_130 = arith.constant 2 : i32
          %add3A_131 = vector.broadcast %add3A_130 : i32 to vector<16xi32>
          %add3A_132 = arith.addi %mul3A_112, %add3A_131 : vector<16xi32>
          tpu.vector_store_idx %arg8[%add3A_132], %get3A_129 : memref<16384xf32, #tpu.memory_space<vmem>>[vector<16xi32>], vector<16xf32>,
          %get3A_133 = arith.constant 3 : i32
          %get3A_134 = arith.index_cast %get3A_133 : i32 to index
          %get3A_135 = arith.index_cast %mul3A_107 : i32 to index
          %get3A_136 = tpu.vector_load %arg5[%get3A_134, %get3A_135] {strides = array<i32>} : memref<16x1024xf32, #tpu.memory_space<vmem>>, vector<16xf32>,
          %add3A_137 = arith.constant 3 : i32
          %add3A_138 = vector.broadcast %add3A_137 : i32 to vector<16xi32>
          %add3A_139 = arith.addi %mul3A_112, %add3A_138 : vector<16xi32>
          tpu.vector_store_idx %arg8[%add3A_139], %get3A_136 : memref<16384xf32, #tpu.memory_space<vmem>>[vector<16xi32>], vector<16xf32>,
          %get3A_140 = arith.constant 4 : i32
          %get3A_141 = arith.index_cast %get3A_140 : i32 to index
          %get3A_142 = arith.index_cast %mul3A_107 : i32 to index
          %get3A_143 = tpu.vector_load %arg5[%get3A_141, %get3A_142] {strides = array<i32>} : memref<16x1024xf32, #tpu.memory_space<vmem>>, vector<16xf32>,
          %add3A_144 = arith.constant 4 : i32
          %add3A_145 = vector.broadcast %add3A_144 : i32 to vector<16xi32>
          %add3A_146 = arith.addi %mul3A_112, %add3A_145 : vector<16xi32>
          tpu.vector_store_idx %arg8[%add3A_146], %get3A_143 : memref<16384xf32, #tpu.memory_space<vmem>>[vector<16xi32>], vector<16xf32>,
          %get3A_147 = arith.constant 5 : i32
          %get3A_148 = arith.index_cast %get3A_147 : i32 to index
          %get3A_149 = arith.index_cast %mul3A_107 : i32 to index
          %get3A_150 = tpu.vector_load %arg5[%get3A_148, %get3A_149] {strides = array<i32>} : memref<16x1024xf32, #tpu.memory_space<vmem>>, vector<16xf32>,
          %add3A_151 = arith.constant 5 : i32
          %add3A_152 = vector.broadcast %add3A_151 : i32 to vector<16xi32>
          %add3A_153 = arith.addi %mul3A_112, %add3A_152 : vector<16xi32>
          tpu.vector_store_idx %arg8[%add3A_153], %get3A_150 : memref<16384xf32, #tpu.memory_space<vmem>>[vector<16xi32>], vector<16xf32>,
          %get3A_154 = arith.constant 6 : i32
          %get3A_155 = arith.index_cast %get3A_154 : i32 to index
          %get3A_156 = arith.index_cast %mul3A_107 : i32 to index
          %get3A_157 = tpu.vector_load %arg5[%get3A_155, %get3A_156] {strides = array<i32>} : memref<16x1024xf32, #tpu.memory_space<vmem>>, vector<16xf32>,
          %add3A_158 = arith.constant 6 : i32
          %add3A_159 = vector.broadcast %add3A_158 : i32 to vector<16xi32>
          %add3A_160 = arith.addi %mul3A_112, %add3A_159 : vector<16xi32>
          tpu.vector_store_idx %arg8[%add3A_160], %get3A_157 : memref<16384xf32, #tpu.memory_space<vmem>>[vector<16xi32>], vector<16xf32>,
          %get3A_161 = arith.constant 7 : i32
          %get3A_162 = arith.index_cast %get3A_161 : i32 to index
          %get3A_163 = arith.index_cast %mul3A_107 : i32 to index
          %get3A_164 = tpu.vector_load %arg5[%get3A_162, %get3A_163] {strides = array<i32>} : memref<16x1024xf32, #tpu.memory_space<vmem>>, vector<16xf32>,
          %add3A_165 = arith.constant 7 : i32
          %add3A_166 = vector.broadcast %add3A_165 : i32 to vector<16xi32>
          %add3A_167 = arith.addi %mul3A_112, %add3A_166 : vector<16xi32>
          tpu.vector_store_idx %arg8[%add3A_167], %get3A_164 : memref<16384xf32, #tpu.memory_space<vmem>>[vector<16xi32>], vector<16xf32>,
          %get3A_168 = arith.constant 8 : i32
          %get3A_169 = arith.index_cast %get3A_168 : i32 to index
          %get3A_170 = arith.index_cast %mul3A_107 : i32 to index
          %get3A_171 = tpu.vector_load %arg5[%get3A_169, %get3A_170] {strides = array<i32>} : memref<16x1024xf32, #tpu.memory_space<vmem>>, vector<16xf32>,
          %add3A_172 = arith.constant 8 : i32
          %add3A_173 = vector.broadcast %add3A_172 : i32 to vector<16xi32>
          %add3A_174 = arith.addi %mul3A_112, %add3A_173 : vector<16xi32>
          tpu.vector_store_idx %arg8[%add3A_174], %get3A_171 : memref<16384xf32, #tpu.memory_space<vmem>>[vector<16xi32>], vector<16xf32>,
          %get3A_175 = arith.constant 9 : i32
          %get3A_176 = arith.index_cast %get3A_175 : i32 to index
          %get3A_177 = arith.index_cast %mul3A_107 : i32 to index
          %get3A_178 = tpu.vector_load %arg5[%get3A_176, %get3A_177] {strides = array<i32>} : memref<16x1024xf32, #tpu.memory_space<vmem>>, vector<16xf32>,
          %add3A_179 = arith.constant 9 : i32
          %add3A_180 = vector.broadcast %add3A_179 : i32 to vector<16xi32>
          %add3A_181 = arith.addi %mul3A_112, %add3A_180 : vector<16xi32>
          tpu.vector_store_idx %arg8[%add3A_181], %get3A_178 : memref<16384xf32, #tpu.memory_space<vmem>>[vector<16xi32>], vector<16xf32>,
          %get3A_182 = arith.constant 10 : i32
          %get3A_183 = arith.index_cast %get3A_182 : i32 to index
          %get3A_184 = arith.index_cast %mul3A_107 : i32 to index
          %get3A_185 = tpu.vector_load %arg5[%get3A_183, %get3A_184] {strides = array<i32>} : memref<16x1024xf32, #tpu.memory_space<vmem>>, vector<16xf32>,
          %add3A_186 = arith.constant 10 : i32
          %add3A_187 = vector.broadcast %add3A_186 : i32 to vector<16xi32>
          %add3A_188 = arith.addi %mul3A_112, %add3A_187 : vector<16xi32>
          tpu.vector_store_idx %arg8[%add3A_188], %get3A_185 : memref<16384xf32, #tpu.memory_space<vmem>>[vector<16xi32>], vector<16xf32>,
          %get3A_189 = arith.constant 11 : i32
          %get3A_190 = arith.index_cast %get3A_189 : i32 to index
          %get3A_191 = arith.index_cast %mul3A_107 : i32 to index
          %get3A_192 = tpu.vector_load %arg5[%get3A_190, %get3A_191] {strides = array<i32>} : memref<16x1024xf32, #tpu.memory_space<vmem>>, vector<16xf32>,
          %add3A_193 = arith.constant 11 : i32
          %add3A_194 = vector.broadcast %add3A_193 : i32 to vector<16xi32>
          %add3A_195 = arith.addi %mul3A_112, %add3A_194 : vector<16xi32>
          tpu.vector_store_idx %arg8[%add3A_195], %get3A_192 : memref<16384xf32, #tpu.memory_space<vmem>>[vector<16xi32>], vector<16xf32>,
          %get3A_196 = arith.constant 12 : i32
          %get3A_197 = arith.index_cast %get3A_196 : i32 to index
          %get3A_198 = arith.index_cast %mul3A_107 : i32 to index
          %get3A_199 = tpu.vector_load %arg5[%get3A_197, %get3A_198] {strides = array<i32>} : memref<16x1024xf32, #tpu.memory_space<vmem>>, vector<16xf32>,
          %add3A_200 = arith.constant 12 : i32
          %add3A_201 = vector.broadcast %add3A_200 : i32 to vector<16xi32>
          %add3A_202 = arith.addi %mul3A_112, %add3A_201 : vector<16xi32>
          tpu.vector_store_idx %arg8[%add3A_202], %get3A_199 : memref<16384xf32, #tpu.memory_space<vmem>>[vector<16xi32>], vector<16xf32>,
          %get3A_203 = arith.constant 13 : i32
          %get3A_204 = arith.index_cast %get3A_203 : i32 to index
          %get3A_205 = arith.index_cast %mul3A_107 : i32 to index
          %get3A_206 = tpu.vector_load %arg5[%get3A_204, %get3A_205] {strides = array<i32>} : memref<16x1024xf32, #tpu.memory_space<vmem>>, vector<16xf32>,
          %add3A_207 = arith.constant 13 : i32
          %add3A_208 = vector.broadcast %add3A_207 : i32 to vector<16xi32>
          %add3A_209 = arith.addi %mul3A_112, %add3A_208 : vector<16xi32>
          tpu.vector_store_idx %arg8[%add3A_209], %get3A_206 : memref<16384xf32, #tpu.memory_space<vmem>>[vector<16xi32>], vector<16xf32>,
          %get3A_210 = arith.constant 14 : i32
          %get3A_211 = arith.index_cast %get3A_210 : i32 to index
          %get3A_212 = arith.index_cast %mul3A_107 : i32 to index
          %get3A_213 = tpu.vector_load %arg5[%get3A_211, %get3A_212] {strides = array<i32>} : memref<16x1024xf32, #tpu.memory_space<vmem>>, vector<16xf32>,
          %add3A_214 = arith.constant 14 : i32
          %add3A_215 = vector.broadcast %add3A_214 : i32 to vector<16xi32>
          %add3A_216 = arith.addi %mul3A_112, %add3A_215 : vector<16xi32>
          tpu.vector_store_idx %arg8[%add3A_216], %get3A_213 : memref<16384xf32, #tpu.memory_space<vmem>>[vector<16xi32>], vector<16xf32>,
          %get3A_217 = arith.constant 15 : i32
          %get3A_218 = arith.index_cast %get3A_217 : i32 to index
          %get3A_219 = arith.index_cast %mul3A_107 : i32 to index
          %get3A_220 = tpu.vector_load %arg5[%get3A_218, %get3A_219] {strides = array<i32>} : memref<16x1024xf32, #tpu.memory_space<vmem>>, vector<16xf32>,
          %add3A_221 = arith.constant 15 : i32
          %add3A_222 = vector.broadcast %add3A_221 : i32 to vector<16xi32>
          %add3A_223 = arith.addi %mul3A_112, %add3A_222 : vector<16xi32>
          tpu.vector_store_idx %arg8[%add3A_223], %get3A_220 : memref<16384xf32, #tpu.memory_space<vmem>>[vector<16xi32>], vector<16xf32>,
        }
        %scan3A_99 = arith.constant 64 : i32
        %mul3A_100 = arith.constant 1024 : i32
        %mul3A_101 = arith.muli %add3A_35, %mul3A_100 : i32
        %multiple_of3A = tpu.assume_multiple %mul3A_101, 128 : i32
        %mul3A_102 = arith.constant 16 : i32
        %mul3A_103 = arith.muli %multiple_of3A, %mul3A_102 : i32
        %dma_start3A = tpu.memref_slice %arg4[%mul3A_103] : memref<41600000xf32, #tpu.memory_space<hbm>> -> memref<16384xf32, #tpu.memory_space<hbm>>
        %dma_start3A_104 = tpu.memref_slice %arg4[%mul3A_103] : memref<41600000xf32, #tpu.memory_space<hbm>> -> memref<16384xf32, #tpu.memory_space<hbm>>
        tpu.enqueue_dma source(%arg8 : memref<16384xf32, #tpu.memory_space<vmem>>) target(%dma_start3A_104 : memref<16384xf32, #tpu.memory_space<hbm>>) target_semaphore(%arg13 : memref<!tpu.dma_semaphore, #tpu.memory_space<semaphore_mem>>)
      } else {
      }
      %add3A_62 = arith.constant 1 : i32
      %add3A_63 = arith.addi %mul3A_32, %add3A_62 : i32
      %mul3A_64 = arith.constant 32 : i32
      %mul3A_65 = arith.muli %add3A_63, %mul3A_64 : i32
      %add3A_66 = arith.addi %add3A, %mul3A_65 : i32
      %lt3A_67 = arith.constant 2539 : i32
      %lt3A_68 = arith.cmpi slt, %add3A_66, %lt3A_67 : i32
      %convert_element_type3A_69 = arith.extui %lt3A_68 : i1 to i32
      %cond3A_70 = arith.constant 0 : i32
      %cond3A_71 = arith.cmpi ne, %convert_element_type3A_69, %cond3A_70 : i32
      scf.if %cond3A_71 {
        %dma_wait3A = arith.constant 0 : i32
        %dma_wait3A_94 = arith.constant 0 : i32
        %dma_wait3A_95 = tpu.memref_slice %arg2[%dma_wait3A, %dma_wait3A_94] : memref<16x2600000xf32, #tpu.memory_space<hbm>> -> memref<16x1024xf32, #tpu.memory_space<hbm>>
        %dma_wait3A_96 = arith.constant 0 : i32
        %dma_wait3A_97 = arith.constant 0 : i32
        %dma_wait3A_98 = tpu.memref_slice %arg2[%dma_wait3A_96, %dma_wait3A_97] : memref<16x2600000xf32, #tpu.memory_space<hbm>> -> memref<16x1024xf32, #tpu.memory_space<hbm>>
        tpu.wait_dma2 semaphore(%arg11 : memref<!tpu.dma_semaphore, #tpu.memory_space<semaphore_mem>>) src(%dma_wait3A_98 : memref<16x1024xf32, #tpu.memory_space<hbm>>) dst(%arg6 : memref<16x1024xf32, #tpu.memory_space<vmem>>)
      } else {
      }
      %add3A_72 = arith.constant 32 : i32
      %add3A_73 = arith.addi %add3A_66, %add3A_72 : i32
      %lt3A_74 = arith.constant 2539 : i32
      %lt3A_75 = arith.cmpi slt, %add3A_73, %lt3A_74 : i32
      %convert_element_type3A_76 = arith.extui %lt3A_75 : i1 to i32
      %cond3A_77 = arith.constant 0 : i32
      %cond3A_78 = arith.cmpi ne, %convert_element_type3A_76, %cond3A_77 : i32
      scf.if %cond3A_78 {
        %mul3A_94 = arith.constant 1024 : i32
        %mul3A_95 = arith.muli %add3A_73, %mul3A_94 : i32
        %multiple_of3A = tpu.assume_multiple %mul3A_95, 128 : i32
        %dma_start3A = arith.constant 0 : i32
        %dma_start3A_96 = tpu.memref_slice %arg2[%dma_start3A, %multiple_of3A] : memref<16x2600000xf32, #tpu.memory_space<hbm>> -> memref<16x1024xf32, #tpu.memory_space<hbm>>
        %dma_start3A_97 = arith.constant 0 : i32
        %dma_start3A_98 = tpu.memref_slice %arg2[%dma_start3A_97, %multiple_of3A] : memref<16x2600000xf32, #tpu.memory_space<hbm>> -> memref<16x1024xf32, #tpu.memory_space<hbm>>
        tpu.enqueue_dma source(%dma_start3A_98 : memref<16x1024xf32, #tpu.memory_space<hbm>>) target(%arg5 : memref<16x1024xf32, #tpu.memory_space<vmem>>) target_semaphore(%arg10 : memref<!tpu.dma_semaphore, #tpu.memory_space<semaphore_mem>>)
      } else {
      }
      %sub3A_79 = arith.constant 64 : i32
      %sub3A_80 = arith.subi %add3A_66, %sub3A_79 : i32
      %ge3A_81 = arith.constant 0 : i32
      %ge3A_82 = arith.cmpi sge, %sub3A_80, %ge3A_81 : i32
      %lt3A_83 = arith.constant 2539 : i32
      %lt3A_84 = arith.cmpi slt, %sub3A_80, %lt3A_83 : i32
      %and3A_85 = arith.andi %ge3A_82, %lt3A_84 : i1
      %convert_element_type3A_86 = arith.extui %and3A_85 : i1 to i32
      %cond3A_87 = arith.constant 0 : i32
      %cond3A_88 = arith.cmpi ne, %convert_element_type3A_86, %cond3A_87 : i32
      scf.if %cond3A_88 {
        %dma_wait3A = arith.constant 0 : i32
        %dma_wait3A_94 = tpu.memref_slice %arg4[%dma_wait3A] : memref<41600000xf32, #tpu.memory_space<hbm>> -> memref<16384xf32, #tpu.memory_space<hbm>>
        %dma_wait3A_95 = arith.constant 0 : i32
        %dma_wait3A_96 = tpu.memref_slice %arg4[%dma_wait3A_95] : memref<41600000xf32, #tpu.memory_space<hbm>> -> memref<16384xf32, #tpu.memory_space<hbm>>
        tpu.wait_dma2 semaphore(%arg14 : memref<!tpu.dma_semaphore, #tpu.memory_space<semaphore_mem>>) src(%arg9 : memref<16384xf32, #tpu.memory_space<vmem>>) dst(%dma_wait3A_96 : memref<16384xf32, #tpu.memory_space<hbm>>)
      } else {
      }
      %lt3A_89 = arith.constant 2539 : i32
      %lt3A_90 = arith.cmpi slt, %add3A_66, %lt3A_89 : i32
      %convert_element_type3A_91 = arith.extui %lt3A_90 : i1 to i32
      %cond3A_92 = arith.constant 0 : i32
      %cond3A_93 = arith.cmpi ne, %convert_element_type3A_91, %cond3A_92 : i32
      scf.if %cond3A_93 {
        %scan3A_94 = arith.constant 0 : i32
        %scan3A_95 = arith.constant 0 : i32
        %scan3A_96 = arith.constant 64 : i32
        %scan3A_97 = arith.addi %scan3A_95, %scan3A_96 : i32
        %scan3A_98 = arith.constant 1 : i32
        scf.for %scan3A_105 = %scan3A_95 to %scan3A_97 step %scan3A_98  : i32 {
          %mul3A_106 = arith.constant 16 : i32
          %mul3A_107 = arith.muli %scan3A_105, %mul3A_106 : i32
          %iota3A = tpu.iota {dimensions = array<i32: 0>} : vector<16xi32>
          %add3A_108 = vector.broadcast %mul3A_107 : i32 to vector<16xi32>
          %add3A_109 = arith.addi %iota3A, %add3A_108 : vector<16xi32>
          %mul3A_110 = arith.constant 16 : i32
          %mul3A_111 = vector.broadcast %mul3A_110 : i32 to vector<16xi32>
          %mul3A_112 = arith.muli %add3A_109, %mul3A_111 : vector<16xi32>
          %get3A = arith.constant 0 : i32
          %get3A_113 = arith.index_cast %get3A : i32 to index
          %get3A_114 = arith.index_cast %mul3A_107 : i32 to index
          %get3A_115 = tpu.vector_load %arg6[%get3A_113, %get3A_114] {strides = array<i32>} : memref<16x1024xf32, #tpu.memory_space<vmem>>, vector<16xf32>,
          %add3A_116 = arith.constant 0 : i32
          %add3A_117 = vector.broadcast %add3A_116 : i32 to vector<16xi32>
          %add3A_118 = arith.addi %mul3A_112, %add3A_117 : vector<16xi32>
          tpu.vector_store_idx %arg9[%add3A_118], %get3A_115 : memref<16384xf32, #tpu.memory_space<vmem>>[vector<16xi32>], vector<16xf32>,
          %get3A_119 = arith.constant 1 : i32
          %get3A_120 = arith.index_cast %get3A_119 : i32 to index
          %get3A_121 = arith.index_cast %mul3A_107 : i32 to index
          %get3A_122 = tpu.vector_load %arg6[%get3A_120, %get3A_121] {strides = array<i32>} : memref<16x1024xf32, #tpu.memory_space<vmem>>, vector<16xf32>,
          %add3A_123 = arith.constant 1 : i32
          %add3A_124 = vector.broadcast %add3A_123 : i32 to vector<16xi32>
          %add3A_125 = arith.addi %mul3A_112, %add3A_124 : vector<16xi32>
          tpu.vector_store_idx %arg9[%add3A_125], %get3A_122 : memref<16384xf32, #tpu.memory_space<vmem>>[vector<16xi32>], vector<16xf32>,
          %get3A_126 = arith.constant 2 : i32
          %get3A_127 = arith.index_cast %get3A_126 : i32 to index
          %get3A_128 = arith.index_cast %mul3A_107 : i32 to index
          %get3A_129 = tpu.vector_load %arg6[%get3A_127, %get3A_128] {strides = array<i32>} : memref<16x1024xf32, #tpu.memory_space<vmem>>, vector<16xf32>,
          %add3A_130 = arith.constant 2 : i32
          %add3A_131 = vector.broadcast %add3A_130 : i32 to vector<16xi32>
          %add3A_132 = arith.addi %mul3A_112, %add3A_131 : vector<16xi32>
          tpu.vector_store_idx %arg9[%add3A_132], %get3A_129 : memref<16384xf32, #tpu.memory_space<vmem>>[vector<16xi32>], vector<16xf32>,
          %get3A_133 = arith.constant 3 : i32
          %get3A_134 = arith.index_cast %get3A_133 : i32 to index
          %get3A_135 = arith.index_cast %mul3A_107 : i32 to index
          %get3A_136 = tpu.vector_load %arg6[%get3A_134, %get3A_135] {strides = array<i32>} : memref<16x1024xf32, #tpu.memory_space<vmem>>, vector<16xf32>,
          %add3A_137 = arith.constant 3 : i32
          %add3A_138 = vector.broadcast %add3A_137 : i32 to vector<16xi32>
          %add3A_139 = arith.addi %mul3A_112, %add3A_138 : vector<16xi32>
          tpu.vector_store_idx %arg9[%add3A_139], %get3A_136 : memref<16384xf32, #tpu.memory_space<vmem>>[vector<16xi32>], vector<16xf32>,
          %get3A_140 = arith.constant 4 : i32
          %get3A_141 = arith.index_cast %get3A_140 : i32 to index
          %get3A_142 = arith.index_cast %mul3A_107 : i32 to index
          %get3A_143 = tpu.vector_load %arg6[%get3A_141, %get3A_142] {strides = array<i32>} : memref<16x1024xf32, #tpu.memory_space<vmem>>, vector<16xf32>,
          %add3A_144 = arith.constant 4 : i32
          %add3A_145 = vector.broadcast %add3A_144 : i32 to vector<16xi32>
          %add3A_146 = arith.addi %mul3A_112, %add3A_145 : vector<16xi32>
          tpu.vector_store_idx %arg9[%add3A_146], %get3A_143 : memref<16384xf32, #tpu.memory_space<vmem>>[vector<16xi32>], vector<16xf32>,
          %get3A_147 = arith.constant 5 : i32
          %get3A_148 = arith.index_cast %get3A_147 : i32 to index
          %get3A_149 = arith.index_cast %mul3A_107 : i32 to index
          %get3A_150 = tpu.vector_load %arg6[%get3A_148, %get3A_149] {strides = array<i32>} : memref<16x1024xf32, #tpu.memory_space<vmem>>, vector<16xf32>,
          %add3A_151 = arith.constant 5 : i32
          %add3A_152 = vector.broadcast %add3A_151 : i32 to vector<16xi32>
          %add3A_153 = arith.addi %mul3A_112, %add3A_152 : vector<16xi32>
          tpu.vector_store_idx %arg9[%add3A_153], %get3A_150 : memref<16384xf32, #tpu.memory_space<vmem>>[vector<16xi32>], vector<16xf32>,
          %get3A_154 = arith.constant 6 : i32
          %get3A_155 = arith.index_cast %get3A_154 : i32 to index
          %get3A_156 = arith.index_cast %mul3A_107 : i32 to index
          %get3A_157 = tpu.vector_load %arg6[%get3A_155, %get3A_156] {strides = array<i32>} : memref<16x1024xf32, #tpu.memory_space<vmem>>, vector<16xf32>,
          %add3A_158 = arith.constant 6 : i32
          %add3A_159 = vector.broadcast %add3A_158 : i32 to vector<16xi32>
          %add3A_160 = arith.addi %mul3A_112, %add3A_159 : vector<16xi32>
          tpu.vector_store_idx %arg9[%add3A_160], %get3A_157 : memref<16384xf32, #tpu.memory_space<vmem>>[vector<16xi32>], vector<16xf32>,
          %get3A_161 = arith.constant 7 : i32
          %get3A_162 = arith.index_cast %get3A_161 : i32 to index
          %get3A_163 = arith.index_cast %mul3A_107 : i32 to index
          %get3A_164 = tpu.vector_load %arg6[%get3A_162, %get3A_163] {strides = array<i32>} : memref<16x1024xf32, #tpu.memory_space<vmem>>, vector<16xf32>,
          %add3A_165 = arith.constant 7 : i32
          %add3A_166 = vector.broadcast %add3A_165 : i32 to vector<16xi32>
          %add3A_167 = arith.addi %mul3A_112, %add3A_166 : vector<16xi32>
          tpu.vector_store_idx %arg9[%add3A_167], %get3A_164 : memref<16384xf32, #tpu.memory_space<vmem>>[vector<16xi32>], vector<16xf32>,
          %get3A_168 = arith.constant 8 : i32
          %get3A_169 = arith.index_cast %get3A_168 : i32 to index
          %get3A_170 = arith.index_cast %mul3A_107 : i32 to index
          %get3A_171 = tpu.vector_load %arg6[%get3A_169, %get3A_170] {strides = array<i32>} : memref<16x1024xf32, #tpu.memory_space<vmem>>, vector<16xf32>,
          %add3A_172 = arith.constant 8 : i32
          %add3A_173 = vector.broadcast %add3A_172 : i32 to vector<16xi32>
          %add3A_174 = arith.addi %mul3A_112, %add3A_173 : vector<16xi32>
          tpu.vector_store_idx %arg9[%add3A_174], %get3A_171 : memref<16384xf32, #tpu.memory_space<vmem>>[vector<16xi32>], vector<16xf32>,
          %get3A_175 = arith.constant 9 : i32
          %get3A_176 = arith.index_cast %get3A_175 : i32 to index
          %get3A_177 = arith.index_cast %mul3A_107 : i32 to index
          %get3A_178 = tpu.vector_load %arg6[%get3A_176, %get3A_177] {strides = array<i32>} : memref<16x1024xf32, #tpu.memory_space<vmem>>, vector<16xf32>,
          %add3A_179 = arith.constant 9 : i32
          %add3A_180 = vector.broadcast %add3A_179 : i32 to vector<16xi32>
          %add3A_181 = arith.addi %mul3A_112, %add3A_180 : vector<16xi32>
          tpu.vector_store_idx %arg9[%add3A_181], %get3A_178 : memref<16384xf32, #tpu.memory_space<vmem>>[vector<16xi32>], vector<16xf32>,
          %get3A_182 = arith.constant 10 : i32
          %get3A_183 = arith.index_cast %get3A_182 : i32 to index
          %get3A_184 = arith.index_cast %mul3A_107 : i32 to index
          %get3A_185 = tpu.vector_load %arg6[%get3A_183, %get3A_184] {strides = array<i32>} : memref<16x1024xf32, #tpu.memory_space<vmem>>, vector<16xf32>,
          %add3A_186 = arith.constant 10 : i32
          %add3A_187 = vector.broadcast %add3A_186 : i32 to vector<16xi32>
          %add3A_188 = arith.addi %mul3A_112, %add3A_187 : vector<16xi32>
          tpu.vector_store_idx %arg9[%add3A_188], %get3A_185 : memref<16384xf32, #tpu.memory_space<vmem>>[vector<16xi32>], vector<16xf32>,
          %get3A_189 = arith.constant 11 : i32
          %get3A_190 = arith.index_cast %get3A_189 : i32 to index
          %get3A_191 = arith.index_cast %mul3A_107 : i32 to index
          %get3A_192 = tpu.vector_load %arg6[%get3A_190, %get3A_191] {strides = array<i32>} : memref<16x1024xf32, #tpu.memory_space<vmem>>, vector<16xf32>,
          %add3A_193 = arith.constant 11 : i32
          %add3A_194 = vector.broadcast %add3A_193 : i32 to vector<16xi32>
          %add3A_195 = arith.addi %mul3A_112, %add3A_194 : vector<16xi32>
          tpu.vector_store_idx %arg9[%add3A_195], %get3A_192 : memref<16384xf32, #tpu.memory_space<vmem>>[vector<16xi32>], vector<16xf32>,
          %get3A_196 = arith.constant 12 : i32
          %get3A_197 = arith.index_cast %get3A_196 : i32 to index
          %get3A_198 = arith.index_cast %mul3A_107 : i32 to index
          %get3A_199 = tpu.vector_load %arg6[%get3A_197, %get3A_198] {strides = array<i32>} : memref<16x1024xf32, #tpu.memory_space<vmem>>, vector<16xf32>,
          %add3A_200 = arith.constant 12 : i32
          %add3A_201 = vector.broadcast %add3A_200 : i32 to vector<16xi32>
          %add3A_202 = arith.addi %mul3A_112, %add3A_201 : vector<16xi32>
          tpu.vector_store_idx %arg9[%add3A_202], %get3A_199 : memref<16384xf32, #tpu.memory_space<vmem>>[vector<16xi32>], vector<16xf32>,
          %get3A_203 = arith.constant 13 : i32
          %get3A_204 = arith.index_cast %get3A_203 : i32 to index
          %get3A_205 = arith.index_cast %mul3A_107 : i32 to index
          %get3A_206 = tpu.vector_load %arg6[%get3A_204, %get3A_205] {strides = array<i32>} : memref<16x1024xf32, #tpu.memory_space<vmem>>, vector<16xf32>,
          %add3A_207 = arith.constant 13 : i32
          %add3A_208 = vector.broadcast %add3A_207 : i32 to vector<16xi32>
          %add3A_209 = arith.addi %mul3A_112, %add3A_208 : vector<16xi32>
          tpu.vector_store_idx %arg9[%add3A_209], %get3A_206 : memref<16384xf32, #tpu.memory_space<vmem>>[vector<16xi32>], vector<16xf32>,
          %get3A_210 = arith.constant 14 : i32
          %get3A_211 = arith.index_cast %get3A_210 : i32 to index
          %get3A_212 = arith.index_cast %mul3A_107 : i32 to index
          %get3A_213 = tpu.vector_load %arg6[%get3A_211, %get3A_212] {strides = array<i32>} : memref<16x1024xf32, #tpu.memory_space<vmem>>, vector<16xf32>,
          %add3A_214 = arith.constant 14 : i32
          %add3A_215 = vector.broadcast %add3A_214 : i32 to vector<16xi32>
          %add3A_216 = arith.addi %mul3A_112, %add3A_215 : vector<16xi32>
          tpu.vector_store_idx %arg9[%add3A_216], %get3A_213 : memref<16384xf32, #tpu.memory_space<vmem>>[vector<16xi32>], vector<16xf32>,
          %get3A_217 = arith.constant 15 : i32
          %get3A_218 = arith.index_cast %get3A_217 : i32 to index
          %get3A_219 = arith.index_cast %mul3A_107 : i32 to index
          %get3A_220 = tpu.vector_load %arg6[%get3A_218, %get3A_219] {strides = array<i32>} : memref<16x1024xf32, #tpu.memory_space<vmem>>, vector<16xf32>,
          %add3A_221 = arith.constant 15 : i32
          %add3A_222 = vector.broadcast %add3A_221 : i32 to vector<16xi32>
          %add3A_223 = arith.addi %mul3A_112, %add3A_222 : vector<16xi32>
          tpu.vector_store_idx %arg9[%add3A_223], %get3A_220 : memref<16384xf32, #tpu.memory_space<vmem>>[vector<16xi32>], vector<16xf32>,
        }
        %scan3A_99 = arith.constant 64 : i32
        %mul3A_100 = arith.constant 1024 : i32
        %mul3A_101 = arith.muli %add3A_66, %mul3A_100 : i32
        %multiple_of3A = tpu.assume_multiple %mul3A_101, 128 : i32
        %mul3A_102 = arith.constant 16 : i32
        %mul3A_103 = arith.muli %multiple_of3A, %mul3A_102 : i32
        %dma_start3A = tpu.memref_slice %arg4[%mul3A_103] : memref<41600000xf32, #tpu.memory_space<hbm>> -> memref<16384xf32, #tpu.memory_space<hbm>>
        %dma_start3A_104 = tpu.memref_slice %arg4[%mul3A_103] : memref<41600000xf32, #tpu.memory_space<hbm>> -> memref<16384xf32, #tpu.memory_space<hbm>>
        tpu.enqueue_dma source(%arg9 : memref<16384xf32, #tpu.memory_space<vmem>>) target(%dma_start3A_104 : memref<16384xf32, #tpu.memory_space<hbm>>) target_semaphore(%arg14 : memref<!tpu.dma_semaphore, #tpu.memory_space<semaphore_mem>>)
      } else {
      }
    }
    %scan3A_7 = arith.constant 42 : i32
    %add3A_8 = arith.constant 2624 : i32
    %add3A_9 = arith.addi %add3A, %add3A_8 : i32
    %ge3A = arith.constant 0 : i32
    %ge3A_10 = arith.cmpi sge, %add3A_9, %ge3A : i32
    %lt3A_11 = arith.constant 2539 : i32
    %lt3A_12 = arith.cmpi slt, %add3A_9, %lt3A_11 : i32
    %and3A = arith.andi %ge3A_10, %lt3A_12 : i1
    %convert_element_type3A_13 = arith.extui %and3A : i1 to i32
    %cond3A_14 = arith.constant 0 : i32
    %cond3A_15 = arith.cmpi ne, %convert_element_type3A_13, %cond3A_14 : i32
    scf.if %cond3A_15 {
      %dma_wait3A = arith.constant 0 : i32
      %dma_wait3A_30 = tpu.memref_slice %arg4[%dma_wait3A] : memref<41600000xf32, #tpu.memory_space<hbm>> -> memref<16384xf32, #tpu.memory_space<hbm>>
      %dma_wait3A_31 = arith.constant 0 : i32
      %dma_wait3A_32 = tpu.memref_slice %arg4[%dma_wait3A_31] : memref<41600000xf32, #tpu.memory_space<hbm>> -> memref<16384xf32, #tpu.memory_space<hbm>>
      tpu.wait_dma2 semaphore(%arg13 : memref<!tpu.dma_semaphore, #tpu.memory_space<semaphore_mem>>) src(%arg8 : memref<16384xf32, #tpu.memory_space<vmem>>) dst(%dma_wait3A_32 : memref<16384xf32, #tpu.memory_space<hbm>>)
    } else {
    }
    %add3A_16 = arith.constant 2656 : i32
    %add3A_17 = arith.addi %add3A, %add3A_16 : i32
    %ge3A_18 = arith.constant 0 : i32
    %ge3A_19 = arith.cmpi sge, %add3A_17, %ge3A_18 : i32
    %lt3A_20 = arith.constant 2539 : i32
    %lt3A_21 = arith.cmpi slt, %add3A_17, %lt3A_20 : i32
    %and3A_22 = arith.andi %ge3A_19, %lt3A_21 : i1
    %convert_element_type3A_23 = arith.extui %and3A_22 : i1 to i32
    %cond3A_24 = arith.constant 0 : i32
    %cond3A_25 = arith.cmpi ne, %convert_element_type3A_23, %cond3A_24 : i32
    scf.if %cond3A_25 {
      %dma_wait3A = arith.constant 0 : i32
      %dma_wait3A_30 = tpu.memref_slice %arg4[%dma_wait3A] : memref<41600000xf32, #tpu.memory_space<hbm>> -> memref<16384xf32, #tpu.memory_space<hbm>>
      %dma_wait3A_31 = arith.constant 0 : i32
      %dma_wait3A_32 = tpu.memref_slice %arg4[%dma_wait3A_31] : memref<41600000xf32, #tpu.memory_space<hbm>> -> memref<16384xf32, #tpu.memory_space<hbm>>
      tpu.wait_dma2 semaphore(%arg14 : memref<!tpu.dma_semaphore, #tpu.memory_space<semaphore_mem>>) src(%arg9 : memref<16384xf32, #tpu.memory_space<vmem>>) dst(%dma_wait3A_32 : memref<16384xf32, #tpu.memory_space<hbm>>)
    } else {
    }
    %eq3A = arith.constant 0 : i32
    %eq3A_26 = arith.cmpi eq, %add3A, %eq3A : i32
    %convert_element_type3A_27 = arith.extui %eq3A_26 : i1 to i32
    %cond3A_28 = arith.constant 0 : i32
    %cond3A_29 = arith.cmpi ne, %convert_element_type3A_27, %cond3A_28 : i32
    scf.if %cond3A_29 {
      "tpu.region"() ({
        %run_scoped3A = tpu.sem_alloc : memref<!tpu.dma_semaphore, #tpu.memory_space<semaphore_mem>>
        %dma_start3A = arith.constant 0 : i32
        %dma_start3A_30 = tpu.memref_slice %arg8[%dma_start3A] : memref<16384xf32, #tpu.memory_space<vmem>> -> memref<1024xf32, #tpu.memory_space<vmem>>
        %dma_start3A_31 = arith.constant 0 : i32
        %dma_start3A_32 = tpu.memref_slice %arg8[%dma_start3A_31] : memref<16384xf32, #tpu.memory_space<vmem>> -> memref<1024xf32, #tpu.memory_space<vmem>>
        tpu.enqueue_dma source(%arg3 : memref<1024xf32, #tpu.memory_space<hbm>>) target(%dma_start3A_32 : memref<1024xf32, #tpu.memory_space<vmem>>) target_semaphore(%run_scoped3A : memref<!tpu.dma_semaphore, #tpu.memory_space<semaphore_mem>>)
        %dma_wait3A = arith.constant 0 : i32
        %dma_wait3A_33 = tpu.memref_slice %arg8[%dma_wait3A] : memref<16384xf32, #tpu.memory_space<vmem>> -> memref<1024xf32, #tpu.memory_space<vmem>>
        %dma_wait3A_34 = arith.constant 0 : i32
        %dma_wait3A_35 = tpu.memref_slice %arg8[%dma_wait3A_34] : memref<16384xf32, #tpu.memory_space<vmem>> -> memref<1024xf32, #tpu.memory_space<vmem>>
        tpu.wait_dma2 semaphore(%run_scoped3A : memref<!tpu.dma_semaphore, #tpu.memory_space<semaphore_mem>>) src(%arg3 : memref<1024xf32, #tpu.memory_space<hbm>>) dst(%dma_wait3A_35 : memref<1024xf32, #tpu.memory_space<vmem>>)
        tpu.yield
      }) : () -> ()
      "tpu.region"() ({
        %run_scoped3A = tpu.sem_alloc : memref<!tpu.dma_semaphore, #tpu.memory_space<semaphore_mem>>
        %dma_start3A = arith.constant 0 : i32
        %dma_start3A_30 = tpu.memref_slice %arg8[%dma_start3A] : memref<16384xf32, #tpu.memory_space<vmem>> -> memref<1024xf32, #tpu.memory_space<vmem>>
        %dma_start3A_31 = arith.constant 41598976 : i32
        %dma_start3A_32 = tpu.memref_slice %arg4[%dma_start3A_31] : memref<41600000xf32, #tpu.memory_space<hbm>> -> memref<1024xf32, #tpu.memory_space<hbm>>
        %dma_start3A_33 = arith.constant 41598976 : i32
        %dma_start3A_34 = tpu.memref_slice %arg4[%dma_start3A_33] : memref<41600000xf32, #tpu.memory_space<hbm>> -> memref<1024xf32, #tpu.memory_space<hbm>>
        %dma_start3A_35 = arith.constant 0 : i32
        %dma_start3A_36 = tpu.memref_slice %arg8[%dma_start3A_35] : memref<16384xf32, #tpu.memory_space<vmem>> -> memref<1024xf32, #tpu.memory_space<vmem>>
        tpu.enqueue_dma source(%dma_start3A_36 : memref<1024xf32, #tpu.memory_space<vmem>>) target(%dma_start3A_34 : memref<1024xf32, #tpu.memory_space<hbm>>) target_semaphore(%run_scoped3A : memref<!tpu.dma_semaphore, #tpu.memory_space<semaphore_mem>>)
        %dma_wait3A = arith.constant 0 : i32
        %dma_wait3A_37 = tpu.memref_slice %arg8[%dma_wait3A] : memref<16384xf32, #tpu.memory_space<vmem>> -> memref<1024xf32, #tpu.memory_space<vmem>>
        %dma_wait3A_38 = arith.constant 41598976 : i32
        %dma_wait3A_39 = tpu.memref_slice %arg4[%dma_wait3A_38] : memref<41600000xf32, #tpu.memory_space<hbm>> -> memref<1024xf32, #tpu.memory_space<hbm>>
        %dma_wait3A_40 = arith.constant 41598976 : i32
        %dma_wait3A_41 = tpu.memref_slice %arg4[%dma_wait3A_40] : memref<41600000xf32, #tpu.memory_space<hbm>> -> memref<1024xf32, #tpu.memory_space<hbm>>
        %dma_wait3A_42 = arith.constant 0 : i32
        %dma_wait3A_43 = tpu.memref_slice %arg8[%dma_wait3A_42] : memref<16384xf32, #tpu.memory_space<vmem>> -> memref<1024xf32, #tpu.memory_space<vmem>>
        tpu.wait_dma2 semaphore(%run_scoped3A : memref<!tpu.dma_semaphore, #tpu.memory_space<semaphore_mem>>) src(%dma_wait3A_43 : memref<1024xf32, #tpu.memory_space<vmem>>) dst(%dma_wait3A_41 : memref<1024xf32, #tpu.memory_space<hbm>>)
        tpu.yield
      }) : () -> ()
    } else {
    }
    return
  }
}

#map = affine_map<(d0, d1) -> (0, 0)>
#map1 = affine_map<(d0, d1) -> (0)>
module attributes {stable_mosaic.version = 14 : i64} {
  func.func @_sc_body(%arg0: i32, %arg1: i32, %arg2: memref<2600000x16xf32, #tpu.memory_space<hbm>>, %arg3: memref<425984xi32, #tpu.memory_space<hbm>>, %arg4: memref<2600000xf32, #tpu.memory_space<hbm>>, %arg5: memref<32x13312xi32, #tpu.memory_space<hbm>>, %arg6: memref<425984x16xf32, #tpu.memory_space<hbm>>, %arg7: memref<16384xf32, #tpu.memory_space<hbm>>, %arg8: memref<3328xi32, #tpu.memory_space<vmem>>, %arg9: memref<3328x16xf32, #tpu.memory_space<vmem>>, %arg10: memref<13312xi32, #tpu.memory_space<vmem>>, %arg11: memref<13312xf32, #tpu.memory_space<vmem>>, %arg12: memref<512xf32, #tpu.memory_space<vmem>>, %arg13: memref<!tpu.dma_semaphore, #tpu.memory_space<semaphore_mem>>) attributes {dimension_semantics = [#tpu.dimension_semantics<core_parallel>, #tpu.dimension_semantics<subcore_parallel>], iteration_bounds = array<i64: 2, 16>, scalar_prefetch = 0 : i64, scratch_operands = 6 : i64, tpu.core_type = #tpu.core_type<sc_vector_subcore>, window_params = [{transform_indices = #map}, {transform_indices = #map1}, {transform_indices = #map1}, {transform_indices = #map}, {transform_indices = #map}, {transform_indices = #map1}]} {
    %mul3A = arith.constant 2 : i32
    %mul3A_0 = arith.muli %arg1, %mul3A : i32
    %add3A = arith.addi %mul3A_0, %arg0 : i32
    %mul3A_1 = arith.constant 512 : i32
    %mul3A_2 = arith.muli %add3A, %mul3A_1 : i32
    %add3A_3 = arith.constant 0 : i32
    %add3A_4 = arith.addi %mul3A_2, %add3A_3 : i32
    %mul3A_5 = arith.constant 26 : i32
    %mul3A_6 = arith.muli %add3A_4, %mul3A_5 : i32
    "tpu.region"() ({
      %run_scoped3A = tpu.sem_alloc : memref<!tpu.dma_semaphore, #tpu.memory_space<semaphore_mem>>
      %dma_start3A_50 = tpu.memref_slice %arg3[%mul3A_6] : memref<425984xi32, #tpu.memory_space<hbm>> -> memref<3328xi32, #tpu.memory_space<hbm>>
      %dma_start3A_51 = tpu.memref_slice %arg3[%mul3A_6] : memref<425984xi32, #tpu.memory_space<hbm>> -> memref<3328xi32, #tpu.memory_space<hbm>>
      tpu.enqueue_dma source(%dma_start3A_51 : memref<3328xi32, #tpu.memory_space<hbm>>) target(%arg8 : memref<3328xi32, #tpu.memory_space<vmem>>) target_semaphore(%run_scoped3A : memref<!tpu.dma_semaphore, #tpu.memory_space<semaphore_mem>>)
      %dma_wait3A_52 = tpu.memref_slice %arg3[%mul3A_6] : memref<425984xi32, #tpu.memory_space<hbm>> -> memref<3328xi32, #tpu.memory_space<hbm>>
      %dma_wait3A_53 = tpu.memref_slice %arg3[%mul3A_6] : memref<425984xi32, #tpu.memory_space<hbm>> -> memref<3328xi32, #tpu.memory_space<hbm>>
      tpu.wait_dma2 semaphore(%run_scoped3A : memref<!tpu.dma_semaphore, #tpu.memory_space<semaphore_mem>>) src(%dma_wait3A_53 : memref<3328xi32, #tpu.memory_space<hbm>>) dst(%arg8 : memref<3328xi32, #tpu.memory_space<vmem>>)
      tpu.yield
    }) : () -> ()
    %dma_start3A = arith.constant 0 : i32
    %dma_start3A_7 = arith.constant 0 : i32
    %dma_start3A_8 = tpu.memref_slice %arg2[%dma_start3A, %dma_start3A_7] : memref<2600000x16xf32, #tpu.memory_space<hbm>> -> memref<2600000x16xf32, #tpu.memory_space<hbm>>
    tpu.enqueue_indirect_dma source(%dma_start3A_8 : memref<2600000x16xf32, #tpu.memory_space<hbm>>) target(%arg9 : memref<3328x16xf32, #tpu.memory_space<vmem>>) offsets(%arg8 : memref<3328xi32, #tpu.memory_space<vmem>>) semaphore(%arg13 : memref<!tpu.dma_semaphore, #tpu.memory_space<semaphore_mem>>)
    %dma_wait3A = arith.constant 0 : i32
    %dma_wait3A_9 = arith.constant 0 : i32
    %dma_wait3A_10 = tpu.memref_slice %arg2[%dma_wait3A, %dma_wait3A_9] : memref<2600000x16xf32, #tpu.memory_space<hbm>> -> memref<2600000x16xf32, #tpu.memory_space<hbm>>
    tpu.wait_indirect_dma semaphore(%arg13 : memref<!tpu.dma_semaphore, #tpu.memory_space<semaphore_mem>>) src(%dma_wait3A_10 : memref<2600000x16xf32, #tpu.memory_space<hbm>>) dst(%arg9 : memref<3328x16xf32, #tpu.memory_space<vmem>>)
    "tpu.region"() ({
      %run_scoped3A = tpu.sem_alloc : memref<!tpu.dma_semaphore, #tpu.memory_space<semaphore_mem>>
      %dma_start3A_50 = arith.constant 0 : i32
      %dma_start3A_51 = tpu.memref_slice %arg6[%mul3A_6, %dma_start3A_50] : memref<425984x16xf32, #tpu.memory_space<hbm>> -> memref<3328x16xf32, #tpu.memory_space<hbm>>
      %dma_start3A_52 = arith.constant 0 : i32
      %dma_start3A_53 = tpu.memref_slice %arg6[%mul3A_6, %dma_start3A_52] : memref<425984x16xf32, #tpu.memory_space<hbm>> -> memref<3328x16xf32, #tpu.memory_space<hbm>>
      tpu.enqueue_dma source(%arg9 : memref<3328x16xf32, #tpu.memory_space<vmem>>) target(%dma_start3A_53 : memref<3328x16xf32, #tpu.memory_space<hbm>>) target_semaphore(%run_scoped3A : memref<!tpu.dma_semaphore, #tpu.memory_space<semaphore_mem>>)
      %dma_wait3A_54 = arith.constant 0 : i32
      %dma_wait3A_55 = tpu.memref_slice %arg6[%mul3A_6, %dma_wait3A_54] : memref<425984x16xf32, #tpu.memory_space<hbm>> -> memref<3328x16xf32, #tpu.memory_space<hbm>>
      %dma_wait3A_56 = arith.constant 0 : i32
      %dma_wait3A_57 = tpu.memref_slice %arg6[%mul3A_6, %dma_wait3A_56] : memref<425984x16xf32, #tpu.memory_space<hbm>> -> memref<3328x16xf32, #tpu.memory_space<hbm>>
      tpu.wait_dma2 semaphore(%run_scoped3A : memref<!tpu.dma_semaphore, #tpu.memory_space<semaphore_mem>>) src(%arg9 : memref<3328x16xf32, #tpu.memory_space<vmem>>) dst(%dma_wait3A_57 : memref<3328x16xf32, #tpu.memory_space<hbm>>)
      tpu.yield
    }) : () -> ()
    %add3A_11 = arith.constant 128 : i32
    %add3A_12 = arith.addi %mul3A_2, %add3A_11 : i32
    %mul3A_13 = arith.constant 26 : i32
    %mul3A_14 = arith.muli %add3A_12, %mul3A_13 : i32
    "tpu.region"() ({
      %run_scoped3A = tpu.sem_alloc : memref<!tpu.dma_semaphore, #tpu.memory_space<semaphore_mem>>
      %dma_start3A_50 = tpu.memref_slice %arg3[%mul3A_14] : memref<425984xi32, #tpu.memory_space<hbm>> -> memref<3328xi32, #tpu.memory_space<hbm>>
      %dma_start3A_51 = tpu.memref_slice %arg3[%mul3A_14] : memref<425984xi32, #tpu.memory_space<hbm>> -> memref<3328xi32, #tpu.memory_space<hbm>>
      tpu.enqueue_dma source(%dma_start3A_51 : memref<3328xi32, #tpu.memory_space<hbm>>) target(%arg8 : memref<3328xi32, #tpu.memory_space<vmem>>) target_semaphore(%run_scoped3A : memref<!tpu.dma_semaphore, #tpu.memory_space<semaphore_mem>>)
      %dma_wait3A_52 = tpu.memref_slice %arg3[%mul3A_14] : memref<425984xi32, #tpu.memory_space<hbm>> -> memref<3328xi32, #tpu.memory_space<hbm>>
      %dma_wait3A_53 = tpu.memref_slice %arg3[%mul3A_14] : memref<425984xi32, #tpu.memory_space<hbm>> -> memref<3328xi32, #tpu.memory_space<hbm>>
      tpu.wait_dma2 semaphore(%run_scoped3A : memref<!tpu.dma_semaphore, #tpu.memory_space<semaphore_mem>>) src(%dma_wait3A_53 : memref<3328xi32, #tpu.memory_space<hbm>>) dst(%arg8 : memref<3328xi32, #tpu.memory_space<vmem>>)
      tpu.yield
    }) : () -> ()
    %dma_start3A_15 = arith.constant 0 : i32
    %dma_start3A_16 = arith.constant 0 : i32
    %dma_start3A_17 = tpu.memref_slice %arg2[%dma_start3A_15, %dma_start3A_16] : memref<2600000x16xf32, #tpu.memory_space<hbm>> -> memref<2600000x16xf32, #tpu.memory_space<hbm>>
    tpu.enqueue_indirect_dma source(%dma_start3A_17 : memref<2600000x16xf32, #tpu.memory_space<hbm>>) target(%arg9 : memref<3328x16xf32, #tpu.memory_space<vmem>>) offsets(%arg8 : memref<3328xi32, #tpu.memory_space<vmem>>) semaphore(%arg13 : memref<!tpu.dma_semaphore, #tpu.memory_space<semaphore_mem>>)
    %dma_wait3A_18 = arith.constant 0 : i32
    %dma_wait3A_19 = arith.constant 0 : i32
    %dma_wait3A_20 = tpu.memref_slice %arg2[%dma_wait3A_18, %dma_wait3A_19] : memref<2600000x16xf32, #tpu.memory_space<hbm>> -> memref<2600000x16xf32, #tpu.memory_space<hbm>>
    tpu.wait_indirect_dma semaphore(%arg13 : memref<!tpu.dma_semaphore, #tpu.memory_space<semaphore_mem>>) src(%dma_wait3A_20 : memref<2600000x16xf32, #tpu.memory_space<hbm>>) dst(%arg9 : memref<3328x16xf32, #tpu.memory_space<vmem>>)
    "tpu.region"() ({
      %run_scoped3A = tpu.sem_alloc : memref<!tpu.dma_semaphore, #tpu.memory_space<semaphore_mem>>
      %dma_start3A_50 = arith.constant 0 : i32
      %dma_start3A_51 = tpu.memref_slice %arg6[%mul3A_14, %dma_start3A_50] : memref<425984x16xf32, #tpu.memory_space<hbm>> -> memref<3328x16xf32, #tpu.memory_space<hbm>>
      %dma_start3A_52 = arith.constant 0 : i32
      %dma_start3A_53 = tpu.memref_slice %arg6[%mul3A_14, %dma_start3A_52] : memref<425984x16xf32, #tpu.memory_space<hbm>> -> memref<3328x16xf32, #tpu.memory_space<hbm>>
      tpu.enqueue_dma source(%arg9 : memref<3328x16xf32, #tpu.memory_space<vmem>>) target(%dma_start3A_53 : memref<3328x16xf32, #tpu.memory_space<hbm>>) target_semaphore(%run_scoped3A : memref<!tpu.dma_semaphore, #tpu.memory_space<semaphore_mem>>)
      %dma_wait3A_54 = arith.constant 0 : i32
      %dma_wait3A_55 = tpu.memref_slice %arg6[%mul3A_14, %dma_wait3A_54] : memref<425984x16xf32, #tpu.memory_space<hbm>> -> memref<3328x16xf32, #tpu.memory_space<hbm>>
      %dma_wait3A_56 = arith.constant 0 : i32
      %dma_wait3A_57 = tpu.memref_slice %arg6[%mul3A_14, %dma_wait3A_56] : memref<425984x16xf32, #tpu.memory_space<hbm>> -> memref<3328x16xf32, #tpu.memory_space<hbm>>
      tpu.wait_dma2 semaphore(%run_scoped3A : memref<!tpu.dma_semaphore, #tpu.memory_space<semaphore_mem>>) src(%arg9 : memref<3328x16xf32, #tpu.memory_space<vmem>>) dst(%dma_wait3A_57 : memref<3328x16xf32, #tpu.memory_space<hbm>>)
      tpu.yield
    }) : () -> ()
    %add3A_21 = arith.constant 256 : i32
    %add3A_22 = arith.addi %mul3A_2, %add3A_21 : i32
    %mul3A_23 = arith.constant 26 : i32
    %mul3A_24 = arith.muli %add3A_22, %mul3A_23 : i32
    "tpu.region"() ({
      %run_scoped3A = tpu.sem_alloc : memref<!tpu.dma_semaphore, #tpu.memory_space<semaphore_mem>>
      %dma_start3A_50 = tpu.memref_slice %arg3[%mul3A_24] : memref<425984xi32, #tpu.memory_space<hbm>> -> memref<3328xi32, #tpu.memory_space<hbm>>
      %dma_start3A_51 = tpu.memref_slice %arg3[%mul3A_24] : memref<425984xi32, #tpu.memory_space<hbm>> -> memref<3328xi32, #tpu.memory_space<hbm>>
      tpu.enqueue_dma source(%dma_start3A_51 : memref<3328xi32, #tpu.memory_space<hbm>>) target(%arg8 : memref<3328xi32, #tpu.memory_space<vmem>>) target_semaphore(%run_scoped3A : memref<!tpu.dma_semaphore, #tpu.memory_space<semaphore_mem>>)
      %dma_wait3A_52 = tpu.memref_slice %arg3[%mul3A_24] : memref<425984xi32, #tpu.memory_space<hbm>> -> memref<3328xi32, #tpu.memory_space<hbm>>
      %dma_wait3A_53 = tpu.memref_slice %arg3[%mul3A_24] : memref<425984xi32, #tpu.memory_space<hbm>> -> memref<3328xi32, #tpu.memory_space<hbm>>
      tpu.wait_dma2 semaphore(%run_scoped3A : memref<!tpu.dma_semaphore, #tpu.memory_space<semaphore_mem>>) src(%dma_wait3A_53 : memref<3328xi32, #tpu.memory_space<hbm>>) dst(%arg8 : memref<3328xi32, #tpu.memory_space<vmem>>)
      tpu.yield
    }) : () -> ()
    %dma_start3A_25 = arith.constant 0 : i32
    %dma_start3A_26 = arith.constant 0 : i32
    %dma_start3A_27 = tpu.memref_slice %arg2[%dma_start3A_25, %dma_start3A_26] : memref<2600000x16xf32, #tpu.memory_space<hbm>> -> memref<2600000x16xf32, #tpu.memory_space<hbm>>
    tpu.enqueue_indirect_dma source(%dma_start3A_27 : memref<2600000x16xf32, #tpu.memory_space<hbm>>) target(%arg9 : memref<3328x16xf32, #tpu.memory_space<vmem>>) offsets(%arg8 : memref<3328xi32, #tpu.memory_space<vmem>>) semaphore(%arg13 : memref<!tpu.dma_semaphore, #tpu.memory_space<semaphore_mem>>)
    %dma_wait3A_28 = arith.constant 0 : i32
    %dma_wait3A_29 = arith.constant 0 : i32
    %dma_wait3A_30 = tpu.memref_slice %arg2[%dma_wait3A_28, %dma_wait3A_29] : memref<2600000x16xf32, #tpu.memory_space<hbm>> -> memref<2600000x16xf32, #tpu.memory_space<hbm>>
    tpu.wait_indirect_dma semaphore(%arg13 : memref<!tpu.dma_semaphore, #tpu.memory_space<semaphore_mem>>) src(%dma_wait3A_30 : memref<2600000x16xf32, #tpu.memory_space<hbm>>) dst(%arg9 : memref<3328x16xf32, #tpu.memory_space<vmem>>)
    "tpu.region"() ({
      %run_scoped3A = tpu.sem_alloc : memref<!tpu.dma_semaphore, #tpu.memory_space<semaphore_mem>>
      %dma_start3A_50 = arith.constant 0 : i32
      %dma_start3A_51 = tpu.memref_slice %arg6[%mul3A_24, %dma_start3A_50] : memref<425984x16xf32, #tpu.memory_space<hbm>> -> memref<3328x16xf32, #tpu.memory_space<hbm>>
      %dma_start3A_52 = arith.constant 0 : i32
      %dma_start3A_53 = tpu.memref_slice %arg6[%mul3A_24, %dma_start3A_52] : memref<425984x16xf32, #tpu.memory_space<hbm>> -> memref<3328x16xf32, #tpu.memory_space<hbm>>
      tpu.enqueue_dma source(%arg9 : memref<3328x16xf32, #tpu.memory_space<vmem>>) target(%dma_start3A_53 : memref<3328x16xf32, #tpu.memory_space<hbm>>) target_semaphore(%run_scoped3A : memref<!tpu.dma_semaphore, #tpu.memory_space<semaphore_mem>>)
      %dma_wait3A_54 = arith.constant 0 : i32
      %dma_wait3A_55 = tpu.memref_slice %arg6[%mul3A_24, %dma_wait3A_54] : memref<425984x16xf32, #tpu.memory_space<hbm>> -> memref<3328x16xf32, #tpu.memory_space<hbm>>
      %dma_wait3A_56 = arith.constant 0 : i32
      %dma_wait3A_57 = tpu.memref_slice %arg6[%mul3A_24, %dma_wait3A_56] : memref<425984x16xf32, #tpu.memory_space<hbm>> -> memref<3328x16xf32, #tpu.memory_space<hbm>>
      tpu.wait_dma2 semaphore(%run_scoped3A : memref<!tpu.dma_semaphore, #tpu.memory_space<semaphore_mem>>) src(%arg9 : memref<3328x16xf32, #tpu.memory_space<vmem>>) dst(%dma_wait3A_57 : memref<3328x16xf32, #tpu.memory_space<hbm>>)
      tpu.yield
    }) : () -> ()
    %add3A_31 = arith.constant 384 : i32
    %add3A_32 = arith.addi %mul3A_2, %add3A_31 : i32
    %mul3A_33 = arith.constant 26 : i32
    %mul3A_34 = arith.muli %add3A_32, %mul3A_33 : i32
    "tpu.region"() ({
      %run_scoped3A = tpu.sem_alloc : memref<!tpu.dma_semaphore, #tpu.memory_space<semaphore_mem>>
      %dma_start3A_50 = tpu.memref_slice %arg3[%mul3A_34] : memref<425984xi32, #tpu.memory_space<hbm>> -> memref<3328xi32, #tpu.memory_space<hbm>>
      %dma_start3A_51 = tpu.memref_slice %arg3[%mul3A_34] : memref<425984xi32, #tpu.memory_space<hbm>> -> memref<3328xi32, #tpu.memory_space<hbm>>
      tpu.enqueue_dma source(%dma_start3A_51 : memref<3328xi32, #tpu.memory_space<hbm>>) target(%arg8 : memref<3328xi32, #tpu.memory_space<vmem>>) target_semaphore(%run_scoped3A : memref<!tpu.dma_semaphore, #tpu.memory_space<semaphore_mem>>)
      %dma_wait3A_52 = tpu.memref_slice %arg3[%mul3A_34] : memref<425984xi32, #tpu.memory_space<hbm>> -> memref<3328xi32, #tpu.memory_space<hbm>>
      %dma_wait3A_53 = tpu.memref_slice %arg3[%mul3A_34] : memref<425984xi32, #tpu.memory_space<hbm>> -> memref<3328xi32, #tpu.memory_space<hbm>>
      tpu.wait_dma2 semaphore(%run_scoped3A : memref<!tpu.dma_semaphore, #tpu.memory_space<semaphore_mem>>) src(%dma_wait3A_53 : memref<3328xi32, #tpu.memory_space<hbm>>) dst(%arg8 : memref<3328xi32, #tpu.memory_space<vmem>>)
      tpu.yield
    }) : () -> ()
    %dma_start3A_35 = arith.constant 0 : i32
    %dma_start3A_36 = arith.constant 0 : i32
    %dma_start3A_37 = tpu.memref_slice %arg2[%dma_start3A_35, %dma_start3A_36] : memref<2600000x16xf32, #tpu.memory_space<hbm>> -> memref<2600000x16xf32, #tpu.memory_space<hbm>>
    tpu.enqueue_indirect_dma source(%dma_start3A_37 : memref<2600000x16xf32, #tpu.memory_space<hbm>>) target(%arg9 : memref<3328x16xf32, #tpu.memory_space<vmem>>) offsets(%arg8 : memref<3328xi32, #tpu.memory_space<vmem>>) semaphore(%arg13 : memref<!tpu.dma_semaphore, #tpu.memory_space<semaphore_mem>>)
    %dma_wait3A_38 = arith.constant 0 : i32
    %dma_wait3A_39 = arith.constant 0 : i32
    %dma_wait3A_40 = tpu.memref_slice %arg2[%dma_wait3A_38, %dma_wait3A_39] : memref<2600000x16xf32, #tpu.memory_space<hbm>> -> memref<2600000x16xf32, #tpu.memory_space<hbm>>
    tpu.wait_indirect_dma semaphore(%arg13 : memref<!tpu.dma_semaphore, #tpu.memory_space<semaphore_mem>>) src(%dma_wait3A_40 : memref<2600000x16xf32, #tpu.memory_space<hbm>>) dst(%arg9 : memref<3328x16xf32, #tpu.memory_space<vmem>>)
    "tpu.region"() ({
      %run_scoped3A = tpu.sem_alloc : memref<!tpu.dma_semaphore, #tpu.memory_space<semaphore_mem>>
      %dma_start3A_50 = arith.constant 0 : i32
      %dma_start3A_51 = tpu.memref_slice %arg6[%mul3A_34, %dma_start3A_50] : memref<425984x16xf32, #tpu.memory_space<hbm>> -> memref<3328x16xf32, #tpu.memory_space<hbm>>
      %dma_start3A_52 = arith.constant 0 : i32
      %dma_start3A_53 = tpu.memref_slice %arg6[%mul3A_34, %dma_start3A_52] : memref<425984x16xf32, #tpu.memory_space<hbm>> -> memref<3328x16xf32, #tpu.memory_space<hbm>>
      tpu.enqueue_dma source(%arg9 : memref<3328x16xf32, #tpu.memory_space<vmem>>) target(%dma_start3A_53 : memref<3328x16xf32, #tpu.memory_space<hbm>>) target_semaphore(%run_scoped3A : memref<!tpu.dma_semaphore, #tpu.memory_space<semaphore_mem>>)
      %dma_wait3A_54 = arith.constant 0 : i32
      %dma_wait3A_55 = tpu.memref_slice %arg6[%mul3A_34, %dma_wait3A_54] : memref<425984x16xf32, #tpu.memory_space<hbm>> -> memref<3328x16xf32, #tpu.memory_space<hbm>>
      %dma_wait3A_56 = arith.constant 0 : i32
      %dma_wait3A_57 = tpu.memref_slice %arg6[%mul3A_34, %dma_wait3A_56] : memref<425984x16xf32, #tpu.memory_space<hbm>> -> memref<3328x16xf32, #tpu.memory_space<hbm>>
      tpu.wait_dma2 semaphore(%run_scoped3A : memref<!tpu.dma_semaphore, #tpu.memory_space<semaphore_mem>>) src(%arg9 : memref<3328x16xf32, #tpu.memory_space<vmem>>) dst(%dma_wait3A_57 : memref<3328x16xf32, #tpu.memory_space<hbm>>)
      tpu.yield
    }) : () -> ()
    "tpu.region"() ({
      %run_scoped3A = tpu.sem_alloc : memref<!tpu.dma_semaphore, #tpu.memory_space<semaphore_mem>>
      %dma_start3A_50 = arith.constant 0 : i32
      %dma_start3A_51 = tpu.memref_slice %arg5[%add3A, %dma_start3A_50] : memref<32x13312xi32, #tpu.memory_space<hbm>> -> memref<1x13312xi32, #tpu.memory_space<hbm>>
      %dma_start3A_52 = tpu.memref_squeeze %dma_start3A_51 : memref<1x13312xi32, #tpu.memory_space<hbm>> -> memref<13312xi32, #tpu.memory_space<hbm>>
      %dma_start3A_53 = arith.constant 0 : i32
      %dma_start3A_54 = tpu.memref_slice %arg5[%add3A, %dma_start3A_53] : memref<32x13312xi32, #tpu.memory_space<hbm>> -> memref<1x13312xi32, #tpu.memory_space<hbm>>
      %dma_start3A_55 = tpu.memref_squeeze %dma_start3A_54 : memref<1x13312xi32, #tpu.memory_space<hbm>> -> memref<13312xi32, #tpu.memory_space<hbm>>
      tpu.enqueue_dma source(%dma_start3A_55 : memref<13312xi32, #tpu.memory_space<hbm>>) target(%arg10 : memref<13312xi32, #tpu.memory_space<vmem>>) target_semaphore(%run_scoped3A : memref<!tpu.dma_semaphore, #tpu.memory_space<semaphore_mem>>)
      %dma_wait3A_56 = arith.constant 0 : i32
      %dma_wait3A_57 = tpu.memref_slice %arg5[%add3A, %dma_wait3A_56] : memref<32x13312xi32, #tpu.memory_space<hbm>> -> memref<1x13312xi32, #tpu.memory_space<hbm>>
      %dma_wait3A_58 = tpu.memref_squeeze %dma_wait3A_57 : memref<1x13312xi32, #tpu.memory_space<hbm>> -> memref<13312xi32, #tpu.memory_space<hbm>>
      %dma_wait3A_59 = arith.constant 0 : i32
      %dma_wait3A_60 = tpu.memref_slice %arg5[%add3A, %dma_wait3A_59] : memref<32x13312xi32, #tpu.memory_space<hbm>> -> memref<1x13312xi32, #tpu.memory_space<hbm>>
      %dma_wait3A_61 = tpu.memref_squeeze %dma_wait3A_60 : memref<1x13312xi32, #tpu.memory_space<hbm>> -> memref<13312xi32, #tpu.memory_space<hbm>>
      tpu.wait_dma2 semaphore(%run_scoped3A : memref<!tpu.dma_semaphore, #tpu.memory_space<semaphore_mem>>) src(%dma_wait3A_61 : memref<13312xi32, #tpu.memory_space<hbm>>) dst(%arg10 : memref<13312xi32, #tpu.memory_space<vmem>>)
      tpu.yield
    }) : () -> ()
    %dma_start3A_41 = arith.constant 0 : i32
    %dma_start3A_42 = tpu.memref_slice %arg4[%dma_start3A_41] : memref<2600000xf32, #tpu.memory_space<hbm>> -> memref<2600000xf32, #tpu.memory_space<hbm>>
    tpu.enqueue_indirect_dma source(%dma_start3A_42 : memref<2600000xf32, #tpu.memory_space<hbm>>) target(%arg11 : memref<13312xf32, #tpu.memory_space<vmem>>) offsets(%arg10 : memref<13312xi32, #tpu.memory_space<vmem>>) semaphore(%arg13 : memref<!tpu.dma_semaphore, #tpu.memory_space<semaphore_mem>>)
    %dma_wait3A_43 = arith.constant 0 : i32
    %dma_wait3A_44 = tpu.memref_slice %arg4[%dma_wait3A_43] : memref<2600000xf32, #tpu.memory_space<hbm>> -> memref<2600000xf32, #tpu.memory_space<hbm>>
    tpu.wait_indirect_dma semaphore(%arg13 : memref<!tpu.dma_semaphore, #tpu.memory_space<semaphore_mem>>) src(%dma_wait3A_44 : memref<2600000xf32, #tpu.memory_space<hbm>>) dst(%arg11 : memref<13312xf32, #tpu.memory_space<vmem>>)
    %scan3A = arith.constant 0 : i32
    %scan3A_45 = arith.constant 0 : i32
    %scan3A_46 = arith.constant 32 : i32
    %scan3A_47 = arith.addi %scan3A_45, %scan3A_46 : i32
    %scan3A_48 = arith.constant 1 : i32
    scf.for %scan3A_50 = %scan3A_45 to %scan3A_47 step %scan3A_48  : i32 {
      %mul3A_51 = arith.constant 16 : i32
      %mul3A_52 = arith.muli %scan3A_50, %mul3A_51 : i32
      %get3A = arith.index_cast %mul3A_52 : i32 to index
      %get3A_53 = tpu.vector_load %arg11[%get3A] {strides = array<i32>} : memref<13312xf32, #tpu.memory_space<vmem>>, vector<16xf32>,
      %get3A_54 = vector.shape_cast %get3A_53 : vector<16xf32> to vector<16xf32>
      %add3A_55 = arith.constant 512 : i32
      %add3A_56 = arith.addi %add3A_55, %mul3A_52 : i32
      %get3A_57 = arith.index_cast %add3A_56 : i32 to index
      %get3A_58 = tpu.vector_load %arg11[%get3A_57] {strides = array<i32>} : memref<13312xf32, #tpu.memory_space<vmem>>, vector<16xf32>,
      %get3A_59 = vector.shape_cast %get3A_58 : vector<16xf32> to vector<16xf32>
      %add3A_60 = arith.addf %get3A_54, %get3A_59 : vector<16xf32>
      %add3A_61 = arith.constant 1024 : i32
      %add3A_62 = arith.addi %add3A_61, %mul3A_52 : i32
      %get3A_63 = arith.index_cast %add3A_62 : i32 to index
      %get3A_64 = tpu.vector_load %arg11[%get3A_63] {strides = array<i32>} : memref<13312xf32, #tpu.memory_space<vmem>>, vector<16xf32>,
      %get3A_65 = vector.shape_cast %get3A_64 : vector<16xf32> to vector<16xf32>
      %add3A_66 = arith.addf %add3A_60, %get3A_65 : vector<16xf32>
      %add3A_67 = arith.constant 1536 : i32
      %add3A_68 = arith.addi %add3A_67, %mul3A_52 : i32
      %get3A_69 = arith.index_cast %add3A_68 : i32 to index
      %get3A_70 = tpu.vector_load %arg11[%get3A_69] {strides = array<i32>} : memref<13312xf32, #tpu.memory_space<vmem>>, vector<16xf32>,
      %get3A_71 = vector.shape_cast %get3A_70 : vector<16xf32> to vector<16xf32>
      %add3A_72 = arith.addf %add3A_66, %get3A_71 : vector<16xf32>
      %add3A_73 = arith.constant 2048 : i32
      %add3A_74 = arith.addi %add3A_73, %mul3A_52 : i32
      %get3A_75 = arith.index_cast %add3A_74 : i32 to index
      %get3A_76 = tpu.vector_load %arg11[%get3A_75] {strides = array<i32>} : memref<13312xf32, #tpu.memory_space<vmem>>, vector<16xf32>,
      %get3A_77 = vector.shape_cast %get3A_76 : vector<16xf32> to vector<16xf32>
      %add3A_78 = arith.addf %add3A_72, %get3A_77 : vector<16xf32>
      %add3A_79 = arith.constant 2560 : i32
      %add3A_80 = arith.addi %add3A_79, %mul3A_52 : i32
      %get3A_81 = arith.index_cast %add3A_80 : i32 to index
      %get3A_82 = tpu.vector_load %arg11[%get3A_81] {strides = array<i32>} : memref<13312xf32, #tpu.memory_space<vmem>>, vector<16xf32>,
      %get3A_83 = vector.shape_cast %get3A_82 : vector<16xf32> to vector<16xf32>
      %add3A_84 = arith.addf %add3A_78, %get3A_83 : vector<16xf32>
      %add3A_85 = arith.constant 3072 : i32
      %add3A_86 = arith.addi %add3A_85, %mul3A_52 : i32
      %get3A_87 = arith.index_cast %add3A_86 : i32 to index
      %get3A_88 = tpu.vector_load %arg11[%get3A_87] {strides = array<i32>} : memref<13312xf32, #tpu.memory_space<vmem>>, vector<16xf32>,
      %get3A_89 = vector.shape_cast %get3A_88 : vector<16xf32> to vector<16xf32>
      %add3A_90 = arith.addf %add3A_84, %get3A_89 : vector<16xf32>
      %add3A_91 = arith.constant 3584 : i32
      %add3A_92 = arith.addi %add3A_91, %mul3A_52 : i32
      %get3A_93 = arith.index_cast %add3A_92 : i32 to index
      %get3A_94 = tpu.vector_load %arg11[%get3A_93] {strides = array<i32>} : memref<13312xf32, #tpu.memory_space<vmem>>, vector<16xf32>,
      %get3A_95 = vector.shape_cast %get3A_94 : vector<16xf32> to vector<16xf32>
      %add3A_96 = arith.addf %add3A_90, %get3A_95 : vector<16xf32>
      %add3A_97 = arith.constant 4096 : i32
      %add3A_98 = arith.addi %add3A_97, %mul3A_52 : i32
      %get3A_99 = arith.index_cast %add3A_98 : i32 to index
      %get3A_100 = tpu.vector_load %arg11[%get3A_99] {strides = array<i32>} : memref<13312xf32, #tpu.memory_space<vmem>>, vector<16xf32>,
      %get3A_101 = vector.shape_cast %get3A_100 : vector<16xf32> to vector<16xf32>
      %add3A_102 = arith.addf %add3A_96, %get3A_101 : vector<16xf32>
      %add3A_103 = arith.constant 4608 : i32
      %add3A_104 = arith.addi %add3A_103, %mul3A_52 : i32
      %get3A_105 = arith.index_cast %add3A_104 : i32 to index
      %get3A_106 = tpu.vector_load %arg11[%get3A_105] {strides = array<i32>} : memref<13312xf32, #tpu.memory_space<vmem>>, vector<16xf32>,
      %get3A_107 = vector.shape_cast %get3A_106 : vector<16xf32> to vector<16xf32>
      %add3A_108 = arith.addf %add3A_102, %get3A_107 : vector<16xf32>
      %add3A_109 = arith.constant 5120 : i32
      %add3A_110 = arith.addi %add3A_109, %mul3A_52 : i32
      %get3A_111 = arith.index_cast %add3A_110 : i32 to index
      %get3A_112 = tpu.vector_load %arg11[%get3A_111] {strides = array<i32>} : memref<13312xf32, #tpu.memory_space<vmem>>, vector<16xf32>,
      %get3A_113 = vector.shape_cast %get3A_112 : vector<16xf32> to vector<16xf32>
      %add3A_114 = arith.addf %add3A_108, %get3A_113 : vector<16xf32>
      %add3A_115 = arith.constant 5632 : i32
      %add3A_116 = arith.addi %add3A_115, %mul3A_52 : i32
      %get3A_117 = arith.index_cast %add3A_116 : i32 to index
      %get3A_118 = tpu.vector_load %arg11[%get3A_117] {strides = array<i32>} : memref<13312xf32, #tpu.memory_space<vmem>>, vector<16xf32>,
      %get3A_119 = vector.shape_cast %get3A_118 : vector<16xf32> to vector<16xf32>
      %add3A_120 = arith.addf %add3A_114, %get3A_119 : vector<16xf32>
      %add3A_121 = arith.constant 6144 : i32
      %add3A_122 = arith.addi %add3A_121, %mul3A_52 : i32
      %get3A_123 = arith.index_cast %add3A_122 : i32 to index
      %get3A_124 = tpu.vector_load %arg11[%get3A_123] {strides = array<i32>} : memref<13312xf32, #tpu.memory_space<vmem>>, vector<16xf32>,
      %get3A_125 = vector.shape_cast %get3A_124 : vector<16xf32> to vector<16xf32>
      %add3A_126 = arith.addf %add3A_120, %get3A_125 : vector<16xf32>
      %add3A_127 = arith.constant 6656 : i32
      %add3A_128 = arith.addi %add3A_127, %mul3A_52 : i32
      %get3A_129 = arith.index_cast %add3A_128 : i32 to index
      %get3A_130 = tpu.vector_load %arg11[%get3A_129] {strides = array<i32>} : memref<13312xf32, #tpu.memory_space<vmem>>, vector<16xf32>,
      %get3A_131 = vector.shape_cast %get3A_130 : vector<16xf32> to vector<16xf32>
      %add3A_132 = arith.addf %add3A_126, %get3A_131 : vector<16xf32>
      %add3A_133 = arith.constant 7168 : i32
      %add3A_134 = arith.addi %add3A_133, %mul3A_52 : i32
      %get3A_135 = arith.index_cast %add3A_134 : i32 to index
      %get3A_136 = tpu.vector_load %arg11[%get3A_135] {strides = array<i32>} : memref<13312xf32, #tpu.memory_space<vmem>>, vector<16xf32>,
      %get3A_137 = vector.shape_cast %get3A_136 : vector<16xf32> to vector<16xf32>
      %add3A_138 = arith.addf %add3A_132, %get3A_137 : vector<16xf32>
      %add3A_139 = arith.constant 7680 : i32
      %add3A_140 = arith.addi %add3A_139, %mul3A_52 : i32
      %get3A_141 = arith.index_cast %add3A_140 : i32 to index
      %get3A_142 = tpu.vector_load %arg11[%get3A_141] {strides = array<i32>} : memref<13312xf32, #tpu.memory_space<vmem>>, vector<16xf32>,
      %get3A_143 = vector.shape_cast %get3A_142 : vector<16xf32> to vector<16xf32>
      %add3A_144 = arith.addf %add3A_138, %get3A_143 : vector<16xf32>
      %add3A_145 = arith.constant 8192 : i32
      %add3A_146 = arith.addi %add3A_145, %mul3A_52 : i32
      %get3A_147 = arith.index_cast %add3A_146 : i32 to index
      %get3A_148 = tpu.vector_load %arg11[%get3A_147] {strides = array<i32>} : memref<13312xf32, #tpu.memory_space<vmem>>, vector<16xf32>,
      %get3A_149 = vector.shape_cast %get3A_148 : vector<16xf32> to vector<16xf32>
      %add3A_150 = arith.addf %add3A_144, %get3A_149 : vector<16xf32>
      %add3A_151 = arith.constant 8704 : i32
      %add3A_152 = arith.addi %add3A_151, %mul3A_52 : i32
      %get3A_153 = arith.index_cast %add3A_152 : i32 to index
      %get3A_154 = tpu.vector_load %arg11[%get3A_153] {strides = array<i32>} : memref<13312xf32, #tpu.memory_space<vmem>>, vector<16xf32>,
      %get3A_155 = vector.shape_cast %get3A_154 : vector<16xf32> to vector<16xf32>
      %add3A_156 = arith.addf %add3A_150, %get3A_155 : vector<16xf32>
      %add3A_157 = arith.constant 9216 : i32
      %add3A_158 = arith.addi %add3A_157, %mul3A_52 : i32
      %get3A_159 = arith.index_cast %add3A_158 : i32 to index
      %get3A_160 = tpu.vector_load %arg11[%get3A_159] {strides = array<i32>} : memref<13312xf32, #tpu.memory_space<vmem>>, vector<16xf32>,
      %get3A_161 = vector.shape_cast %get3A_160 : vector<16xf32> to vector<16xf32>
      %add3A_162 = arith.addf %add3A_156, %get3A_161 : vector<16xf32>
      %add3A_163 = arith.constant 9728 : i32
      %add3A_164 = arith.addi %add3A_163, %mul3A_52 : i32
      %get3A_165 = arith.index_cast %add3A_164 : i32 to index
      %get3A_166 = tpu.vector_load %arg11[%get3A_165] {strides = array<i32>} : memref<13312xf32, #tpu.memory_space<vmem>>, vector<16xf32>,
      %get3A_167 = vector.shape_cast %get3A_166 : vector<16xf32> to vector<16xf32>
      %add3A_168 = arith.addf %add3A_162, %get3A_167 : vector<16xf32>
      %add3A_169 = arith.constant 10240 : i32
      %add3A_170 = arith.addi %add3A_169, %mul3A_52 : i32
      %get3A_171 = arith.index_cast %add3A_170 : i32 to index
      %get3A_172 = tpu.vector_load %arg11[%get3A_171] {strides = array<i32>} : memref<13312xf32, #tpu.memory_space<vmem>>, vector<16xf32>,
      %get3A_173 = vector.shape_cast %get3A_172 : vector<16xf32> to vector<16xf32>
      %add3A_174 = arith.addf %add3A_168, %get3A_173 : vector<16xf32>
      %add3A_175 = arith.constant 10752 : i32
      %add3A_176 = arith.addi %add3A_175, %mul3A_52 : i32
      %get3A_177 = arith.index_cast %add3A_176 : i32 to index
      %get3A_178 = tpu.vector_load %arg11[%get3A_177] {strides = array<i32>} : memref<13312xf32, #tpu.memory_space<vmem>>, vector<16xf32>,
      %get3A_179 = vector.shape_cast %get3A_178 : vector<16xf32> to vector<16xf32>
      %add3A_180 = arith.addf %add3A_174, %get3A_179 : vector<16xf32>
      %add3A_181 = arith.constant 11264 : i32
      %add3A_182 = arith.addi %add3A_181, %mul3A_52 : i32
      %get3A_183 = arith.index_cast %add3A_182 : i32 to index
      %get3A_184 = tpu.vector_load %arg11[%get3A_183] {strides = array<i32>} : memref<13312xf32, #tpu.memory_space<vmem>>, vector<16xf32>,
      %get3A_185 = vector.shape_cast %get3A_184 : vector<16xf32> to vector<16xf32>
      %add3A_186 = arith.addf %add3A_180, %get3A_185 : vector<16xf32>
      %add3A_187 = arith.constant 11776 : i32
      %add3A_188 = arith.addi %add3A_187, %mul3A_52 : i32
      %get3A_189 = arith.index_cast %add3A_188 : i32 to index
      %get3A_190 = tpu.vector_load %arg11[%get3A_189] {strides = array<i32>} : memref<13312xf32, #tpu.memory_space<vmem>>, vector<16xf32>,
      %get3A_191 = vector.shape_cast %get3A_190 : vector<16xf32> to vector<16xf32>
      %add3A_192 = arith.addf %add3A_186, %get3A_191 : vector<16xf32>
      %add3A_193 = arith.constant 12288 : i32
      %add3A_194 = arith.addi %add3A_193, %mul3A_52 : i32
      %get3A_195 = arith.index_cast %add3A_194 : i32 to index
      %get3A_196 = tpu.vector_load %arg11[%get3A_195] {strides = array<i32>} : memref<13312xf32, #tpu.memory_space<vmem>>, vector<16xf32>,
      %get3A_197 = vector.shape_cast %get3A_196 : vector<16xf32> to vector<16xf32>
      %add3A_198 = arith.addf %add3A_192, %get3A_197 : vector<16xf32>
      %add3A_199 = arith.constant 12800 : i32
      %add3A_200 = arith.addi %add3A_199, %mul3A_52 : i32
      %get3A_201 = arith.index_cast %add3A_200 : i32 to index
      %get3A_202 = tpu.vector_load %arg11[%get3A_201] {strides = array<i32>} : memref<13312xf32, #tpu.memory_space<vmem>>, vector<16xf32>,
      %get3A_203 = vector.shape_cast %get3A_202 : vector<16xf32> to vector<16xf32>
      %add3A_204 = arith.addf %add3A_198, %get3A_203 : vector<16xf32>
      %swap3A = arith.index_cast %mul3A_52 : i32 to index
      %swap3A_205 = tpu.vector_load %arg12[%swap3A] {strides = array<i32>} : memref<512xf32, #tpu.memory_space<vmem>>, vector<16xf32>,
      %swap3A_206 = vector.shape_cast %swap3A_205 : vector<16xf32> to vector<16xf32>
      %swap3A_207 = vector.shape_cast %add3A_204 : vector<16xf32> to vector<16xf32>
      tpu.vector_store %arg12[%swap3A], %swap3A_207 {strides = array<i32>} : memref<512xf32, #tpu.memory_space<vmem>>, vector<16xf32>,
    }
    %scan3A_49 = arith.constant 32 : i32
    "tpu.region"() ({
      %run_scoped3A = tpu.sem_alloc : memref<!tpu.dma_semaphore, #tpu.memory_space<semaphore_mem>>
      %dma_start3A_50 = tpu.memref_slice %arg7[%mul3A_2] : memref<16384xf32, #tpu.memory_space<hbm>> -> memref<512xf32, #tpu.memory_space<hbm>>
      %dma_start3A_51 = tpu.memref_slice %arg7[%mul3A_2] : memref<16384xf32, #tpu.memory_space<hbm>> -> memref<512xf32, #tpu.memory_space<hbm>>
      tpu.enqueue_dma source(%arg12 : memref<512xf32, #tpu.memory_space<vmem>>) target(%dma_start3A_51 : memref<512xf32, #tpu.memory_space<hbm>>) target_semaphore(%run_scoped3A : memref<!tpu.dma_semaphore, #tpu.memory_space<semaphore_mem>>)
      %dma_wait3A_52 = tpu.memref_slice %arg7[%mul3A_2] : memref<16384xf32, #tpu.memory_space<hbm>> -> memref<512xf32, #tpu.memory_space<hbm>>
      %dma_wait3A_53 = tpu.memref_slice %arg7[%mul3A_2] : memref<16384xf32, #tpu.memory_space<hbm>> -> memref<512xf32, #tpu.memory_space<hbm>>
      tpu.wait_dma2 semaphore(%run_scoped3A : memref<!tpu.dma_semaphore, #tpu.memory_space<semaphore_mem>>) src(%arg12 : memref<512xf32, #tpu.memory_space<vmem>>) dst(%dma_wait3A_53 : memref<512xf32, #tpu.memory_space<hbm>>)
      tpu.yield
    }) : () -> ()
    return
  }
}

module attributes {stable_mosaic.version = 14 : i64} {
  func.func @_tc_body(%arg0: i32, %arg1: i32, %arg2: memref<1024x416xf32, #tpu.memory_space<vmem>>, %arg3: memref<1024x1xf32, #tpu.memory_space<vmem>>, %arg4: memref<416x128xf32, #tpu.memory_space<vmem>>, %arg5: memref<416x416xf32, #tpu.memory_space<vmem>>, %arg6: memref<128x64xf32, #tpu.memory_space<vmem>>, %arg7: memref<1x128xf32, #tpu.memory_space<vmem>>, %arg8: memref<1x128xf32, #tpu.memory_space<vmem>>, %arg9: memref<1x64xf32, #tpu.memory_space<vmem>>, %arg10: memref<1x64xf32, #tpu.memory_space<vmem>>, %arg11: memref<1x64xf32, #tpu.memory_space<vmem>>, %arg12: memref<1x2xf32, #tpu.memory_space<vmem>>, %arg13: memref<1x1024x1xf32, #tpu.memory_space<vmem>>, %arg14: memref<16384x128xf32, #tpu.memory_space<vmem>>, %arg15: memref<16384x64xf32, #tpu.memory_space<vmem>>, %arg16: memref<16384x1xf32, #tpu.memory_space<vmem>>, %arg17: memref<2x128xf32, #tpu.memory_space<vmem>>, %arg18: memref<2x64xf32, #tpu.memory_space<vmem>>) attributes {dimension_semantics = [#tpu.dimension_semantics<arbitrary>, #tpu.dimension_semantics<arbitrary>], iteration_bounds = array<i64: 3, 16>, scalar_prefetch = 0 : i64, scratch_operands = 5 : i64, tpu.core_type = #tpu.core_type<tc>, window_params = [{transform_indices = @transform_0, window_bounds = array<i64: 1024, 416>}, {transform_indices = @transform_1, window_bounds = array<i64: 1024, 1>}, {pipeline_mode = #tpu.pipeline_mode<synchronous>, transform_indices = @transform_2, window_bounds = array<i64: 416, 128>}, {pipeline_mode = #tpu.pipeline_mode<synchronous>, transform_indices = @transform_3, window_bounds = array<i64: 416, 416>}, {pipeline_mode = #tpu.pipeline_mode<synchronous>, transform_indices = @transform_4, window_bounds = array<i64: 128, 64>}, {pipeline_mode = #tpu.pipeline_mode<synchronous>, transform_indices = @transform_5, window_bounds = array<i64: 1, 128>}, {pipeline_mode = #tpu.pipeline_mode<synchronous>, transform_indices = @transform_6, window_bounds = array<i64: 1, 128>}, {pipeline_mode = #tpu.pipeline_mode<synchronous>, transform_indices = @transform_7, window_bounds = array<i64: 1, 64>}, {pipeline_mode = #tpu.pipeline_mode<synchronous>, transform_indices = @transform_8, window_bounds = array<i64: 1, 64>}, {pipeline_mode = #tpu.pipeline_mode<synchronous>, transform_indices = @transform_9, window_bounds = array<i64: 1, 64>}, {pipeline_mode = #tpu.pipeline_mode<synchronous>, transform_indices = @transform_10, window_bounds = array<i64: 1, 2>}, {transform_indices = @transform_11, window_bounds = array<i64: 1, 1024, 1>}]} {
    %eq3A = arith.constant 0 : i32
    %eq3A_0 = arith.cmpi eq, %arg0, %eq3A : i32
    %convert_element_type3A = arith.extui %eq3A_0 : i1 to i32
    %cond3A = arith.constant 0 : i32
    %cond3A_1 = arith.cmpi ne, %convert_element_type3A, %cond3A : i32
    scf.if %cond3A_1 {
      %get3A = arith.constant 0 : index
      %get3A_12 = arith.constant 0 : index
      %get3A_13 = vector.load %arg2[%get3A, %get3A_12] : memref<1024x416xf32, #tpu.memory_space<vmem>>, vector<1024x416xf32>
      %get3A_14 = arith.constant 0 : index
      %get3A_15 = arith.constant 0 : index
      %get3A_16 = vector.load %arg4[%get3A_14, %get3A_15] : memref<416x128xf32, #tpu.memory_space<vmem>>, vector<416x128xf32>
      %dot_general3A = arith.constant dense<0.000000e+00> : vector<1024x128xf32>
      %dot_general3A_17 = tpu.matmul %get3A_13, %get3A_16, %dot_general3A {dimension_numbers = #tpu.dot_dimension_numbers<[1], [0], [0], [1], [0, 0, 1, 1], [], []>, transpose_lhs_hint = false} : vector<1024x416xf32>, vector<416x128xf32>, vector<1024x128xf32> -> vector<1024x128xf32>
      %get3A_18 = arith.constant 0 : index
      %get3A_19 = arith.constant 0 : index
      %get3A_20 = vector.load %arg5[%get3A_18, %get3A_19] : memref<416x416xf32, #tpu.memory_space<vmem>>, vector<416x416xf32>
      %dot_general3A_21 = arith.constant dense<0.000000e+00> : vector<1024x416xf32>
      %dot_general3A_22 = tpu.matmul %get3A_13, %get3A_20, %dot_general3A_21 {dimension_numbers = #tpu.dot_dimension_numbers<[1], [0], [0], [1], [0, 0, 1, 1], [], []>, transpose_lhs_hint = false} : vector<1024x416xf32>, vector<416x416xf32>, vector<1024x416xf32> -> vector<1024x416xf32>
      %mul3A = arith.mulf %get3A_13, %dot_general3A_22 : vector<1024x416xf32>
      %reduce_sum3A = arith.constant dense<0.000000e+00> : vector<1024xf32>
      %reduce_sum3A_23 = vector.multi_reduction <add>, %mul3A, %reduce_sum3A [1] : vector<1024x416xf32> to vector<1024xf32>
      %broadcast_in_dim3A = vector.shape_cast %reduce_sum3A_23 : vector<1024xf32> to vector<1024x1xf32>
      %mul3A_24 = arith.constant 5.000000e-01 : f32
      %mul3A_25 = vector.broadcast %mul3A_24 : f32 to vector<1024x1xf32>
      %mul3A_26 = arith.mulf %mul3A_25, %broadcast_in_dim3A : vector<1024x1xf32>
      %mul3A_27 = arith.constant 1024 : i32
      %mul3A_28 = arith.muli %arg1, %mul3A_27 : i32
      %swap3A = arith.index_cast %mul3A_28 : i32 to index
      %swap3A_29 = arith.constant 0 : index
      %swap3A_30 = vector.load %arg16[%swap3A, %swap3A_29] : memref<16384x1xf32, #tpu.memory_space<vmem>>, vector<1024x1xf32>
      tpu.vector_store %arg16[%swap3A, %swap3A_29], %mul3A_26 {strides = array<i32>} : memref<16384x1xf32, #tpu.memory_space<vmem>>, vector<1024x1xf32>,
      %mul3A_31 = arith.constant 1024 : i32
      %mul3A_32 = arith.muli %arg1, %mul3A_31 : i32
      %swap3A_33 = arith.index_cast %mul3A_32 : i32 to index
      %swap3A_34 = arith.constant 0 : index
      %swap3A_35 = vector.load %arg14[%swap3A_33, %swap3A_34] : memref<16384x128xf32, #tpu.memory_space<vmem>>, vector<1024x128xf32>
      tpu.vector_store %arg14[%swap3A_33, %swap3A_34], %dot_general3A_17 {strides = array<i32>} : memref<16384x128xf32, #tpu.memory_space<vmem>>, vector<1024x128xf32>,
      %eq3A_36 = arith.constant 0 : i32
      %eq3A_37 = arith.cmpi eq, %arg1, %eq3A_36 : i32
      %convert_element_type3A_38 = arith.extui %eq3A_37 : i1 to i32
      %cond3A_39 = arith.constant 0 : i32
      %cond3A_40 = arith.cmpi ne, %convert_element_type3A_38, %cond3A_39 : i32
      scf.if %cond3A_40 {
        %broadcast_in_dim3A_54 = arith.constant 0.000000e+00 : f32
        %broadcast_in_dim3A_55 = vector.broadcast %broadcast_in_dim3A_54 : f32 to vector<2x128xf32>
        %swap3A_56 = arith.constant 0 : index
        %swap3A_57 = arith.constant 0 : index
        %swap3A_58 = vector.load %arg17[%swap3A_56, %swap3A_57] : memref<2x128xf32, #tpu.memory_space<vmem>>, vector<2x128xf32>
        tpu.vector_store %arg17[%swap3A_56, %swap3A_57], %broadcast_in_dim3A_55 {strides = array<i32>} : memref<2x128xf32, #tpu.memory_space<vmem>>, vector<2x128xf32>,
      } else {
      }
      %get3A_41 = arith.constant 0 : index
      %get3A_42 = arith.constant 0 : index
      %get3A_43 = vector.load %arg17[%get3A_41, %get3A_42] : memref<2x128xf32, #tpu.memory_space<vmem>>, vector<2x128xf32>
      %reduce_sum3A_44 = arith.constant dense<0.000000e+00> : vector<128xf32>
      %reduce_sum3A_45 = vector.multi_reduction <add>, %dot_general3A_17, %reduce_sum3A_44 [0] : vector<1024x128xf32> to vector<128xf32>
      %broadcast_in_dim3A_46 = vector.shape_cast %reduce_sum3A_45 : vector<128xf32> to vector<1x128xf32>
      %mul3A_47 = arith.mulf %dot_general3A_17, %dot_general3A_17 : vector<1024x128xf32>
      %reduce_sum3A_48 = arith.constant dense<0.000000e+00> : vector<128xf32>
      %reduce_sum3A_49 = vector.multi_reduction <add>, %mul3A_47, %reduce_sum3A_48 [0] : vector<1024x128xf32> to vector<128xf32>
      %broadcast_in_dim3A_50 = vector.shape_cast %reduce_sum3A_49 : vector<128xf32> to vector<1x128xf32>
      %concatenate3A = tpu.concatenate %broadcast_in_dim3A_46, %broadcast_in_dim3A_50 in 0 : vector<1x128xf32>, vector<1x128xf32> -> vector<2x128xf32>
      %add3A = arith.addf %get3A_43, %concatenate3A : vector<2x128xf32>
      %swap3A_51 = arith.constant 0 : index
      %swap3A_52 = arith.constant 0 : index
      %swap3A_53 = vector.load %arg17[%swap3A_51, %swap3A_52] : memref<2x128xf32, #tpu.memory_space<vmem>>, vector<2x128xf32>
      tpu.vector_store %arg17[%swap3A_51, %swap3A_52], %add3A {strides = array<i32>} : memref<2x128xf32, #tpu.memory_space<vmem>>, vector<2x128xf32>,
    } else {
    }
    %eq3A_2 = arith.constant 1 : i32
    %eq3A_3 = arith.cmpi eq, %arg0, %eq3A_2 : i32
    %convert_element_type3A_4 = arith.extui %eq3A_3 : i1 to i32
    %cond3A_5 = arith.constant 0 : i32
    %cond3A_6 = arith.cmpi ne, %convert_element_type3A_4, %cond3A_5 : i32
    scf.if %cond3A_6 {
      %get3A = arith.constant 0 : index
      %get3A_12 = arith.constant 0 : index
      %get3A_13 = vector.load %arg17[%get3A, %get3A_12] : memref<2x128xf32, #tpu.memory_space<vmem>>, vector<1x128xf32>
      %mul3A = arith.constant 6.10351563E-5 : f32
      %mul3A_14 = vector.broadcast %mul3A : f32 to vector<1x128xf32>
      %mul3A_15 = arith.mulf %get3A_13, %mul3A_14 : vector<1x128xf32>
      %get3A_16 = arith.constant 1 : index
      %get3A_17 = arith.constant 0 : index
      %get3A_18 = vector.load %arg17[%get3A_16, %get3A_17] : memref<2x128xf32, #tpu.memory_space<vmem>>, vector<1x128xf32>
      %mul3A_19 = arith.constant 6.10351563E-5 : f32
      %mul3A_20 = vector.broadcast %mul3A_19 : f32 to vector<1x128xf32>
      %mul3A_21 = arith.mulf %get3A_18, %mul3A_20 : vector<1x128xf32>
      %mul3A_22 = arith.mulf %mul3A_15, %mul3A_15 : vector<1x128xf32>
      %sub3A = arith.subf %mul3A_21, %mul3A_22 : vector<1x128xf32>
      %get3A_23 = arith.constant 0 : index
      %get3A_24 = arith.constant 0 : index
      %get3A_25 = vector.load %arg7[%get3A_23, %get3A_24] : memref<1x128xf32, #tpu.memory_space<vmem>>, vector<1x128xf32>
      %add3A = arith.constant 9.99999974E-6 : f32
      %add3A_26 = vector.broadcast %add3A : f32 to vector<1x128xf32>
      %add3A_27 = arith.addf %sub3A, %add3A_26 : vector<1x128xf32>
      %rsqrt3A = math.rsqrt %add3A_27 : vector<1x128xf32>
      %mul3A_28 = arith.mulf %get3A_25, %rsqrt3A : vector<1x128xf32>
      %mul3A_29 = arith.constant 1024 : i32
      %mul3A_30 = arith.muli %arg1, %mul3A_29 : i32
      %get3A_31 = arith.index_cast %mul3A_30 : i32 to index
      %get3A_32 = arith.constant 0 : index
      %get3A_33 = vector.load %arg14[%get3A_31, %get3A_32] : memref<16384x128xf32, #tpu.memory_space<vmem>>, vector<1024x128xf32>
      %sub3A_34 = vector.broadcast %mul3A_15 : vector<1x128xf32> to vector<1024x128xf32>
      %sub3A_35 = arith.subf %get3A_33, %sub3A_34 : vector<1024x128xf32>
      %mul3A_36 = vector.broadcast %mul3A_28 : vector<1x128xf32> to vector<1024x128xf32>
      %mul3A_37 = arith.mulf %sub3A_35, %mul3A_36 : vector<1024x128xf32>
      %get3A_38 = arith.constant 0 : index
      %get3A_39 = arith.constant 0 : index
      %get3A_40 = vector.load %arg8[%get3A_38, %get3A_39] : memref<1x128xf32, #tpu.memory_space<vmem>>, vector<1x128xf32>
      %add3A_41 = vector.broadcast %get3A_40 : vector<1x128xf32> to vector<1024x128xf32>
      %add3A_42 = arith.addf %mul3A_37, %add3A_41 : vector<1024x128xf32>
      %max3A = arith.constant 0.000000e+00 : f32
      %max3A_43 = vector.broadcast %max3A : f32 to vector<1024x128xf32>
      %max3A_44 = arith.maximumf %add3A_42, %max3A_43 : vector<1024x128xf32>
      %get3A_45 = arith.constant 0 : index
      %get3A_46 = arith.constant 0 : index
      %get3A_47 = vector.load %arg6[%get3A_45, %get3A_46] : memref<128x64xf32, #tpu.memory_space<vmem>>, vector<128x64xf32>
      %dot_general3A = arith.constant dense<0.000000e+00> : vector<1024x64xf32>
      %dot_general3A_48 = tpu.matmul %max3A_44, %get3A_47, %dot_general3A {dimension_numbers = #tpu.dot_dimension_numbers<[1], [0], [0], [1], [0, 0, 1, 1], [], []>, transpose_lhs_hint = false} : vector<1024x128xf32>, vector<128x64xf32>, vector<1024x64xf32> -> vector<1024x64xf32>
      %mul3A_49 = arith.constant 1024 : i32
      %mul3A_50 = arith.muli %arg1, %mul3A_49 : i32
      %swap3A = arith.index_cast %mul3A_50 : i32 to index
      %swap3A_51 = arith.constant 0 : index
      %swap3A_52 = vector.load %arg15[%swap3A, %swap3A_51] : memref<16384x64xf32, #tpu.memory_space<vmem>>, vector<1024x64xf32>
      tpu.vector_store %arg15[%swap3A, %swap3A_51], %dot_general3A_48 {strides = array<i32>} : memref<16384x64xf32, #tpu.memory_space<vmem>>, vector<1024x64xf32>,
      %eq3A_53 = arith.constant 0 : i32
      %eq3A_54 = arith.cmpi eq, %arg1, %eq3A_53 : i32
      %convert_element_type3A_55 = arith.extui %eq3A_54 : i1 to i32
      %cond3A_56 = arith.constant 0 : i32
      %cond3A_57 = arith.cmpi ne, %convert_element_type3A_55, %cond3A_56 : i32
      scf.if %cond3A_57 {
        %broadcast_in_dim3A_70 = arith.constant 0.000000e+00 : f32
        %broadcast_in_dim3A_71 = vector.broadcast %broadcast_in_dim3A_70 : f32 to vector<2x64xf32>
        %swap3A_72 = arith.constant 0 : index
        %swap3A_73 = arith.constant 0 : index
        %swap3A_74 = vector.load %arg18[%swap3A_72, %swap3A_73] : memref<2x64xf32, #tpu.memory_space<vmem>>, vector<2x64xf32>
        tpu.vector_store %arg18[%swap3A_72, %swap3A_73], %broadcast_in_dim3A_71 {strides = array<i32>} : memref<2x64xf32, #tpu.memory_space<vmem>>, vector<2x64xf32>,
      } else {
      }
      %get3A_58 = arith.constant 0 : index
      %get3A_59 = arith.constant 0 : index
      %get3A_60 = vector.load %arg18[%get3A_58, %get3A_59] : memref<2x64xf32, #tpu.memory_space<vmem>>, vector<2x64xf32>
      %reduce_sum3A = arith.constant dense<0.000000e+00> : vector<64xf32>
      %reduce_sum3A_61 = vector.multi_reduction <add>, %dot_general3A_48, %reduce_sum3A [0] : vector<1024x64xf32> to vector<64xf32>
      %broadcast_in_dim3A = vector.shape_cast %reduce_sum3A_61 : vector<64xf32> to vector<1x64xf32>
      %mul3A_62 = arith.mulf %dot_general3A_48, %dot_general3A_48 : vector<1024x64xf32>
      %reduce_sum3A_63 = arith.constant dense<0.000000e+00> : vector<64xf32>
      %reduce_sum3A_64 = vector.multi_reduction <add>, %mul3A_62, %reduce_sum3A_63 [0] : vector<1024x64xf32> to vector<64xf32>
      %broadcast_in_dim3A_65 = vector.shape_cast %reduce_sum3A_64 : vector<64xf32> to vector<1x64xf32>
      %concatenate3A = tpu.concatenate %broadcast_in_dim3A, %broadcast_in_dim3A_65 in 0 : vector<1x64xf32>, vector<1x64xf32> -> vector<2x64xf32>
      %add3A_66 = arith.addf %get3A_60, %concatenate3A : vector<2x64xf32>
      %swap3A_67 = arith.constant 0 : index
      %swap3A_68 = arith.constant 0 : index
      %swap3A_69 = vector.load %arg18[%swap3A_67, %swap3A_68] : memref<2x64xf32, #tpu.memory_space<vmem>>, vector<2x64xf32>
      tpu.vector_store %arg18[%swap3A_67, %swap3A_68], %add3A_66 {strides = array<i32>} : memref<2x64xf32, #tpu.memory_space<vmem>>, vector<2x64xf32>,
    } else {
    }
    %eq3A_7 = arith.constant 2 : i32
    %eq3A_8 = arith.cmpi eq, %arg0, %eq3A_7 : i32
    %convert_element_type3A_9 = arith.extui %eq3A_8 : i1 to i32
    %cond3A_10 = arith.constant 0 : i32
    %cond3A_11 = arith.cmpi ne, %convert_element_type3A_9, %cond3A_10 : i32
    scf.if %cond3A_11 {
      %get3A = arith.constant 0 : index
      %get3A_12 = arith.constant 0 : index
      %get3A_13 = vector.load %arg18[%get3A, %get3A_12] : memref<2x64xf32, #tpu.memory_space<vmem>>, vector<1x64xf32>
      %mul3A = arith.constant 6.10351563E-5 : f32
      %mul3A_14 = vector.broadcast %mul3A : f32 to vector<1x64xf32>
      %mul3A_15 = arith.mulf %get3A_13, %mul3A_14 : vector<1x64xf32>
      %get3A_16 = arith.constant 1 : index
      %get3A_17 = arith.constant 0 : index
      %get3A_18 = vector.load %arg18[%get3A_16, %get3A_17] : memref<2x64xf32, #tpu.memory_space<vmem>>, vector<1x64xf32>
      %mul3A_19 = arith.constant 6.10351563E-5 : f32
      %mul3A_20 = vector.broadcast %mul3A_19 : f32 to vector<1x64xf32>
      %mul3A_21 = arith.mulf %get3A_18, %mul3A_20 : vector<1x64xf32>
      %mul3A_22 = arith.mulf %mul3A_15, %mul3A_15 : vector<1x64xf32>
      %sub3A = arith.subf %mul3A_21, %mul3A_22 : vector<1x64xf32>
      %get3A_23 = arith.constant 0 : index
      %get3A_24 = arith.constant 0 : index
      %get3A_25 = vector.load %arg9[%get3A_23, %get3A_24] : memref<1x64xf32, #tpu.memory_space<vmem>>, vector<1x64xf32>
      %add3A = arith.constant 9.99999974E-6 : f32
      %add3A_26 = vector.broadcast %add3A : f32 to vector<1x64xf32>
      %add3A_27 = arith.addf %sub3A, %add3A_26 : vector<1x64xf32>
      %rsqrt3A = math.rsqrt %add3A_27 : vector<1x64xf32>
      %mul3A_28 = arith.mulf %get3A_25, %rsqrt3A : vector<1x64xf32>
      %mul3A_29 = arith.constant 1024 : i32
      %mul3A_30 = arith.muli %arg1, %mul3A_29 : i32
      %get3A_31 = arith.index_cast %mul3A_30 : i32 to index
      %get3A_32 = arith.constant 0 : index
      %get3A_33 = vector.load %arg15[%get3A_31, %get3A_32] : memref<16384x64xf32, #tpu.memory_space<vmem>>, vector<1024x64xf32>
      %sub3A_34 = vector.broadcast %mul3A_15 : vector<1x64xf32> to vector<1024x64xf32>
      %sub3A_35 = arith.subf %get3A_33, %sub3A_34 : vector<1024x64xf32>
      %mul3A_36 = vector.broadcast %mul3A_28 : vector<1x64xf32> to vector<1024x64xf32>
      %mul3A_37 = arith.mulf %sub3A_35, %mul3A_36 : vector<1024x64xf32>
      %get3A_38 = arith.constant 0 : index
      %get3A_39 = arith.constant 0 : index
      %get3A_40 = vector.load %arg10[%get3A_38, %get3A_39] : memref<1x64xf32, #tpu.memory_space<vmem>>, vector<1x64xf32>
      %add3A_41 = vector.broadcast %get3A_40 : vector<1x64xf32> to vector<1024x64xf32>
      %add3A_42 = arith.addf %mul3A_37, %add3A_41 : vector<1024x64xf32>
      %max3A = arith.constant 0.000000e+00 : f32
      %max3A_43 = vector.broadcast %max3A : f32 to vector<1024x64xf32>
      %max3A_44 = arith.maximumf %add3A_42, %max3A_43 : vector<1024x64xf32>
      %get3A_45 = arith.constant 0 : index
      %get3A_46 = arith.constant 0 : index
      %get3A_47 = vector.load %arg11[%get3A_45, %get3A_46] : memref<1x64xf32, #tpu.memory_space<vmem>>, vector<1x64xf32>
      %mul3A_48 = vector.broadcast %get3A_47 : vector<1x64xf32> to vector<1024x64xf32>
      %mul3A_49 = arith.mulf %max3A_44, %mul3A_48 : vector<1024x64xf32>
      %reduce_sum3A = arith.constant dense<0.000000e+00> : vector<1024xf32>
      %reduce_sum3A_50 = vector.multi_reduction <add>, %mul3A_49, %reduce_sum3A [1] : vector<1024x64xf32> to vector<1024xf32>
      %broadcast_in_dim3A = vector.shape_cast %reduce_sum3A_50 : vector<1024xf32> to vector<1024x1xf32>
      %get3A_51 = arith.constant 0 : index
      %get3A_52 = arith.constant 0 : index
      %get3A_53 = vector.load %arg3[%get3A_51, %get3A_52] : memref<1024x1xf32, #tpu.memory_space<vmem>>, vector<1024x1xf32>
      %get3A_54 = arith.constant 0 : index
      %get3A_55 = arith.constant 0 : index
      %get3A_56 = vector.load %arg12[%get3A_54, %get3A_55] : memref<1x2xf32, #tpu.memory_space<vmem>>, vector<1x1xf32>
      %mul3A_57 = vector.broadcast %get3A_56 : vector<1x1xf32> to vector<1024x1xf32>
      %mul3A_58 = arith.mulf %get3A_53, %mul3A_57 : vector<1024x1xf32>
      %add3A_59 = arith.addf %broadcast_in_dim3A, %mul3A_58 : vector<1024x1xf32>
      %mul3A_60 = arith.constant 1024 : i32
      %mul3A_61 = arith.muli %arg1, %mul3A_60 : i32
      %get3A_62 = arith.index_cast %mul3A_61 : i32 to index
      %get3A_63 = arith.constant 0 : index
      %get3A_64 = vector.load %arg16[%get3A_62, %get3A_63] : memref<16384x1xf32, #tpu.memory_space<vmem>>, vector<1024x1xf32>
      %add3A_65 = arith.addf %add3A_59, %get3A_64 : vector<1024x1xf32>
      %get3A_66 = arith.constant 0 : index
      %get3A_67 = arith.constant 1 : index
      %get3A_68 = vector.load %arg12[%get3A_66, %get3A_67] : memref<1x2xf32, #tpu.memory_space<vmem>>, vector<1x1xf32>
      %add3A_69 = vector.broadcast %get3A_68 : vector<1x1xf32> to vector<1024x1xf32>
      %add3A_70 = arith.addf %add3A_65, %add3A_69 : vector<1024x1xf32>
      %neg3A = arith.constant 0.000000e+00 : f32
      %neg3A_71 = vector.broadcast %neg3A : f32 to vector<1024x1xf32>
      %neg3A_72 = arith.subf %neg3A_71, %add3A_70 : vector<1024x1xf32>
      %exp3A = math.exp %neg3A_72 : vector<1024x1xf32>
      %add3A_73 = arith.constant 1.000000e+00 : f32
      %add3A_74 = vector.broadcast %add3A_73 : f32 to vector<1024x1xf32>
      %add3A_75 = arith.addf %add3A_74, %exp3A : vector<1024x1xf32>
      %div3A = arith.constant 1.000000e+00 : f32
      %div3A_76 = vector.broadcast %div3A : f32 to vector<1024x1xf32>
      %div3A_77 = arith.divf %div3A_76, %add3A_75 : vector<1024x1xf32>
      %broadcast_in_dim3A_78 = vector.shape_cast %div3A_77 : vector<1024x1xf32> to vector<1x1024x1xf32>
      %swap3A = arith.constant 0 : index
      %swap3A_79 = arith.constant 0 : index
      %swap3A_80 = arith.constant 0 : index
      %swap3A_81 = vector.load %arg13[%swap3A, %swap3A_79, %swap3A_80] : memref<1x1024x1xf32, #tpu.memory_space<vmem>>, vector<1x1024x1xf32>
      tpu.vector_store %arg13[%swap3A, %swap3A_79, %swap3A_80], %broadcast_in_dim3A_78 {strides = array<i32>} : memref<1x1024x1xf32, #tpu.memory_space<vmem>>, vector<1x1024x1xf32>,
    } else {
    }
    return
  }
  func.func @transform_0(%arg0: i32, %arg1: i32) -> (i32, i32) {
    %eq3A = arith.constant 0 : i32
    %eq3A_0 = arith.cmpi eq, %arg0, %eq3A : i32
    %jit3A = arith.constant 0 : i32
    %select_n3A = arith.select %eq3A_0, %arg1, %jit3A : i32
    %c0_i32 = arith.constant 0 : i32
    %c0_i32_1 = arith.constant 0 : i32
    return %select_n3A, %c0_i32 : i32, i32
  }
  func.func @transform_1(%arg0: i32, %arg1: i32) -> (i32, i32) {
    %eq3A = arith.constant 2 : i32
    %eq3A_0 = arith.cmpi eq, %arg0, %eq3A : i32
    %jit3A = arith.constant 0 : i32
    %select_n3A = arith.select %eq3A_0, %arg1, %jit3A : i32
    %c0_i32 = arith.constant 0 : i32
    %c0_i32_1 = arith.constant 0 : i32
    return %select_n3A, %c0_i32 : i32, i32
  }
  func.func @transform_2(%arg0: i32, %arg1: i32) -> (i32, i32) {
    %c0_i32 = arith.constant 0 : i32
    %c0_i32_0 = arith.constant 0 : i32
    %c0_i32_1 = arith.constant 0 : i32
    return %c0_i32, %c0_i32_0 : i32, i32
  }
  func.func @transform_3(%arg0: i32, %arg1: i32) -> (i32, i32) {
    %c0_i32 = arith.constant 0 : i32
    %c0_i32_0 = arith.constant 0 : i32
    %c0_i32_1 = arith.constant 0 : i32
    return %c0_i32, %c0_i32_0 : i32, i32
  }
  func.func @transform_4(%arg0: i32, %arg1: i32) -> (i32, i32) {
    %c0_i32 = arith.constant 0 : i32
    %c0_i32_0 = arith.constant 0 : i32
    %c0_i32_1 = arith.constant 0 : i32
    return %c0_i32, %c0_i32_0 : i32, i32
  }
  func.func @transform_5(%arg0: i32, %arg1: i32) -> (i32, i32) {
    %c0_i32 = arith.constant 0 : i32
    %c0_i32_0 = arith.constant 0 : i32
    %c0_i32_1 = arith.constant 0 : i32
    return %c0_i32, %c0_i32_0 : i32, i32
  }
  func.func @transform_6(%arg0: i32, %arg1: i32) -> (i32, i32) {
    %c0_i32 = arith.constant 0 : i32
    %c0_i32_0 = arith.constant 0 : i32
    %c0_i32_1 = arith.constant 0 : i32
    return %c0_i32, %c0_i32_0 : i32, i32
  }
  func.func @transform_7(%arg0: i32, %arg1: i32) -> (i32, i32) {
    %c0_i32 = arith.constant 0 : i32
    %c0_i32_0 = arith.constant 0 : i32
    %c0_i32_1 = arith.constant 0 : i32
    return %c0_i32, %c0_i32_0 : i32, i32
  }
  func.func @transform_8(%arg0: i32, %arg1: i32) -> (i32, i32) {
    %c0_i32 = arith.constant 0 : i32
    %c0_i32_0 = arith.constant 0 : i32
    %c0_i32_1 = arith.constant 0 : i32
    return %c0_i32, %c0_i32_0 : i32, i32
  }
  func.func @transform_9(%arg0: i32, %arg1: i32) -> (i32, i32) {
    %c0_i32 = arith.constant 0 : i32
    %c0_i32_0 = arith.constant 0 : i32
    %c0_i32_1 = arith.constant 0 : i32
    return %c0_i32, %c0_i32_0 : i32, i32
  }
  func.func @transform_10(%arg0: i32, %arg1: i32) -> (i32, i32) {
    %c0_i32 = arith.constant 0 : i32
    %c0_i32_0 = arith.constant 0 : i32
    %c0_i32_1 = arith.constant 0 : i32
    return %c0_i32, %c0_i32_0 : i32, i32
  }
  func.func @transform_11(%arg0: i32, %arg1: i32) -> (i32, i32, i32) {
    %c0_i32 = arith.constant 0 : i32
    %c0_i32_0 = arith.constant 0 : i32
    return %arg0, %arg1, %c0_i32 : i32, i32, i32
  }
}

</mosaic_0001>

<sc_bundles>
// kernel: kernel.5.cloned.1.call-start
scs
__scs_entry_jumppad:
0x0: {  	(pc) =	sbr.rel $0x88, $3  }
0x1: {  	(tag) =	ssettag $0x0;
	lr =	simm.s32 $0x1  }
0x2: {  	[smem:$0x3F94] =	sst lr;
	_ =	strace $0xD0000000  }
0x3: {  	_ = 	snop  }
0x4: {  	_ = 	snop  }
0x5: {  	_ = 	snop  }
0x6: {  	_ = 	snop  }
0x7: {  	_ = 	snop  }
__scs_overlays_trampoline_lowered:
0x8: {  	[smem:$0x3FA3] =	sst s0  }
0x9: {  	[smem:$0x3FA4] =	sst s1  }
0xa: {  	[smem:$0x3FA5] =	sst s2  }
0xb: {  	[smem:$0x3FA6] =	sst s3  }
0xc: {  	[smem:$0x3FA7] =	sst s4  }
0xd: {  	[smem:$0x3FA8] =	sst s5  }
0xe: {  	[smem:$0x3FA9] =	sst s6  }
0xf: {  	[smem:$0x3FAA] =	sst s7  }
0x10: {  	[smem:$0x3FAB] =	sst s8  }
0x11: {  	[smem:$0x3FAC] =	sst s9;
	s0 =	simm.s32 @!p0 $0x0  }
0x12: {  	s1 =	sld [smem:$0x3F92];
	s0 =	simm.s32 @p0 $0x1  }
0x13: {  	[smem:$0x3FAD] =	sst s0;
	s0 =	simm.s32 @!p1 $0x0  }
0x14: {  	s2 =	sld [smem:$0x3F91];
	s0 =	simm.s32 @p1 $0x1  }
0x15: {  	[smem:$0x3FAE] =	sst s0;
	s0 =	simm.s32 @!p2 $0x0  }
0x16: {  	s3 =	sld [smem:$0x3FDB];
	s0 =	simm.s32 @p2 $0x1  }
0x17: {  	s4 =	simm.s32 $0x1BF5;
	[smem:$0x3FB0] =	sst s0  }
0x18: {  	s0 =	sld [smem:$0x3F93];
	_ =	swait.ge [sflag:s4], $0x0  }
0x19: {  	s7 =	sld [smem:$0x3F94]  }
0x1a: {  	s8 =	sadd.s32 $0xFFFFE003, lr  }
0x1b: {  	s9 =	sadd.s32 $0xFFFFFEF7, lr;
	s5 =	simm.s32 $0xFFFFFFFF;
	p2 =	slt.u32 s8, $0xFFFFF086  }
0x1c: {  	p1 =	slt.u32 s9, $0xF7A;
	s5 =	simm.s32 @!p2 $0x0  }
0x1d: {  	s5 =	simm.s32 @p1 $0x1;
	p0 =	seq.s32 s7, s2  }
0x1e: {  	s7 =	smul.u32 @!p0 $0xF7A, s2;
	p2 =	seq.s32 @!p0 s5, $0x0  }
0x1f: {  	s9 =	smul.u32 $0xF7A, s1;
	s8 =	simm.s32 @!p0 $0x1BF5;
	p2 =	por !p2, p0  }
0x20: {  	[sflag:s8] =	ssyncset.s32 @!p0 $0xFFFFF086;
	s6 =	sadd.s32 @!p0 s3, s7;
	s7 =	simm.s32 @!p0 $0x108  }
0x21: {  	s3 =	sadd.s32 s3, s9;
	s6 =	sadd.s32 @!p0 $0x88, s6;
	s7 =	simm.s32 @p2 $0x1082  }
0x22: {  	[simem:s7], [sflag:s8] =	dma.local @!p0 [hbm:s6], $0xF7A  }
0x23: {  	s9 =	sor.u32 $0xD0000000, s2;
	s6 =	simm.s32 $0x108;
	_ =	swait.ge @!p0 [sflag:s8], $0x0  }
0x24: {  	s3 =	sadd.s32 $0x88, s3;
	s6 =	simm.s32 @!p1 $0x1082;
	[sflag:s4] =	ssyncset.s32 $0xFFFFF086  }
0x25: {  	[simem:s6], [sflag:s4] =	dma.local [hbm:s3], $0xF7A  }
0x26: {  	[smem:$0x3F94] =	sst s1;
	(tag) =	ssettag s2;
	_ =	strace s9  }
0x27: {  	s1 =	sld [smem:$0x3FA4]  }
0x28: {  	s2 =	sld [smem:$0x3FA5]  }
0x29: {  	s4 =	sld [smem:$0x3FA7]  }
0x2a: {  	p0 =	seq.s32 s5, $0x0;
	s5 =	sld [smem:$0x3FA8]  }
0x2b: {  	s6 =	sld [smem:$0x3FA9]  }
0x2c: {  	s7 =	sld [smem:$0x3FAA]  }
0x2d: {  	s3 =	simm.s32 $0x108;
	s8 =	sld [smem:$0x3FAB]  }
0x2e: {  	s3 =	simm.s32 @!p0 $0x1082;
	s9 =	sld [smem:$0x3FAC]  }
0x2f: {  	lr =	sadd.s32 s0, s3;
	s0 =	sld [smem:$0x3FA3]  }
0x30: {  	s3 =	sld [smem:$0x3FA6]  }
0x31: {  	[smem:$0x3FAF] =	sst s10  }
0x32: {  	s10 =	sld [smem:$0x3FAD];
	_ =	sdelay $0x3  }
0x33: {  	p0 =	seq.s32 s10, $0x1;
	s10 =	sld [smem:$0x3FAF];
	_ =	sdelay $0x3  }
0x34: {  	[smem:$0x3FAF] =	sst s10  }
0x35: {  	s10 =	sld [smem:$0x3FAE];
	_ =	sdelay $0x3  }
0x36: {  	p1 =	seq.s32 s10, $0x1;
	s10 =	sld [smem:$0x3FAF];
	_ =	sdelay $0x3  }
0x37: {  	[smem:$0x3FAF] =	sst s10  }
0x38: {  	s10 =	sld [smem:$0x3FB0]  }
0x39: {  	_ = 	snop;
	(pc) =	sbr.ind lr, $3  }
0x3a: {  	_ = 	snop  }
0x3b: {  	_ = 	snop  }
0x3c: {  	p2 =	seq.s32 s10, $0x1;
	s10 =	sld [smem:$0x3FAF]  }
0x3d: {  	_ =	shalt  }
0x3e: {  	_ =	shalt  }
0x3f: {  	_ =	shalt  }
0x40: {  	_ =	shalt  }
0x41: {  	_ =	shalt  }
0x42: {  	_ =	shalt  }
0x43: {  	_ =	shalt  }
0x44: {  	_ =	shalt  }
0x45: {  	_ =	shalt  }
0x46: {  	_ =	shalt  }
0x47: {  	_ =	shalt  }
0x48: {  	_ =	shalt  }
0x49: {  	_ =	shalt  }
0x4a: {  	_ =	shalt  }
0x4b: {  	_ =	shalt  }
0x4c: {  	_ =	shalt  }
0x4d: {  	_ =	shalt  }
0x4e: {  	_ =	shalt  }
0x4f: {  	_ =	shalt  }
0x50: {  	_ =	shalt  }
0x51: {  	_ =	shalt  }
0x52: {  	_ =	shalt  }
0x53: {  	_ =	shalt  }
0x54: {  	_ =	shalt  }
0x55: {  	_ =	shalt  }
0x56: {  	_ =	shalt  }
0x57: {  	_ =	shalt  }
0x58: {  	_ =	shalt  }
0x59: {  	_ =	shalt  }
0x5a: {  	_ =	shalt  }
0x5b: {  	_ =	shalt  }
0x5c: {  	_ =	shalt  }
0x5d: {  	_ =	shalt  }
0x5e: {  	_ =	shalt  }
0x5f: {  	_ =	shalt  }
0x60: {  	_ =	shalt  }
0x61: {  	_ =	shalt  }
0x62: {  	_ =	shalt  }
0x63: {  	_ =	shalt  }
0x64: {  	_ =	shalt  }
0x65: {  	_ =	shalt  }
0x66: {  	_ =	shalt  }
0x67: {  	_ =	shalt  }
0x68: {  	_ =	shalt  }
0x69: {  	_ =	shalt  }
0x6a: {  	_ =	shalt  }
0x6b: {  	_ =	shalt  }
0x6c: {  	_ =	shalt  }
0x6d: {  	_ =	shalt  }
0x6e: {  	_ =	shalt  }
0x6f: {  	_ =	shalt  }
0x70: {  	_ =	shalt  }
0x71: {  	_ =	shalt  }
0x72: {  	_ =	shalt  }
0x73: {  	_ =	shalt  }
0x74: {  	_ =	shalt  }
0x75: {  	_ =	shalt  }
0x76: {  	_ =	shalt  }
0x77: {  	_ =	shalt  }
0x78: {  	_ =	shalt  }
0x79: {  	_ =	shalt  }
0x7a: {  	_ =	shalt  }
0x7b: {  	_ =	shalt  }
0x7c: {  	_ =	shalt  }
0x7d: {  	_ =	shalt  }
0x7e: {  	_ =	shalt  }
0x7f: {  	_ =	shalt  }
0x80: {  	_ =	shalt  }
0x81: {  	_ =	shalt  }
0x82: {  	_ =	shalt  }
0x83: {  	_ =	shalt  }
0x84: {  	_ =	shalt  }
0x85: {  	_ =	shalt  }
0x86: {  	_ =	shalt  }
0x87: {  	_ =	shalt  }
.Lfunc_end0:
.L_simem_size_0:
called_computation_lowered:
.L_overlay_start_0:
0x88: {  	s2 =	sld [smem:$0x3FD9]  }
0x89: {  	s3 =	sld [smem:$0x3FFE];
	_ =	sdelay $0x1  }
0x8a: {  	s1 =	srdreg.scid  }
0x8b: {  	s0 =	sand.u32 $0x1, s1  }
0x8c: {  	s17 =	sshll.u32 s0, $0xA;
	s2 =	sadd.s32 s3, s2  }
0x8d: {  	s2 =	sadd.s32 s2, s17  }
0x8e: {  	[smem:$0x3FBB] =	sst s2  }
0x8f: {  	_ = 	snop  }
0x90: {  	s2 =	sld [smem:$0x3FC7]  }
0x91: {  	s18 =	sld [smem:$0x3FD0];
	(tm) =	ssettm $0x1  }
0x92: {  	s4 =	sld [smem:$0x3FFB];
	_ =	sdelay $0x3  }
0x93: {  	_ =	strace s4  }
0x94: {  	s4 =	sld [smem:$0x3FFC];
	_ =	sdelay $0x3  }
0x95: {  	_ =	strace s4  }
0x96: {  	s4 =	sld [smem:$0x3FFD];
	_ =	sdelay $0x3  }
0x97: {  	_ =	strace s4  }
0x98: {  	_ =	strace $0x8FFFFFFF  }
0x99: {  	s19 =	sld [smem:$0x3FDB];
	_ =	sdelay $0x1  }
0x9a: {  	s5 =	simm.s32 $_scs_section_size  }
0x9b: {  	s6 =	simm.s32 $_size__tile_overlayer_lowered;
	s7 =	simm.s32 $_tile_overlayer_lowered  }
0x9c: {  	s22 =	simm.s32 $0x1BFF;
	s21 =	sshll.u32 s7, $0x1;
	s4 =	sadd.s32 s5, s19  }
0x9d: {  	s8 =	simm.s32 $0x0;
	s20 =	sshll.u32 s6, $0x1;
	s6 =	sadd.s32 s21, s4  }
0x9e: {  	[timem:s8], [sflag:s22] =	dma.local [hbm:s6], s20  }
0x9f: {  	_ =	swait.ge [sflag:s22], s20  }
0xa0: {  	s5 =	ssub.s32 $0x0, s20;
	[sflag:s22] =	ssyncset.done $0x0  }
0xa1: {  	[sflag:s22] =	ssyncadd.s32 s5;
	_ =	sdelay $0x1  }
0xa2: {  	s23 =	simm.s32 $0x1B8B  }
0xa3: {  	_ =	swait.ge [sflag:s23], $0x1  }
0xa4: {  	[sflag:s23] =	ssyncset.done $0x0  }
0xa5: {  	s25 =	simm.s32 $0x1B8E;
	s24 =	sld [smem:$0x3FFE];
	[sflag:s23] =	ssyncadd.s32 $0xFFFFFFFF  }
0xa6: {  	s26 =	simm.s32 $execute0_lowered;
	[smem:$0x3FD2] =	sst s25  }
0xa7: {  	s6 =	sshll.u32 s26, $0x1;
	_ =	strace $0x80000046;
	[dreg:$0x1] =	wrdreg $0xFFFFFFFF  }
0xa8: {  	s28 =	simm.s32 $_size_execute0_lowered;
	s4 =	sadd.s32 s4, s6;
	[dreg:$0x0] =	wrdreg $0x0  }
0xa9: {  	s6 =	sshll.u32 s28, $0x1;
	[dreg:$0x2] =	wrdreg s4  }
0xaa: {  	[dreg:$0x3] =	wrdreg s6  }
0xab: {  	[dreg:$0x4] =	wrdreg $0xC0  }
0xac: {  	_ =	task [dreg:s8], $0x5FFFF  }
0xad: {  	[dreg:$0x1] =	wrdreg $0xFFFFFFFF  }
0xae: {  	[dreg:$0x0] =	wrdreg $0x60  }
0xaf: {  	[dreg:$0x2] =	wrdreg s2  }
0xb0: {  	[dreg:$0x3] =	wrdreg s18  }
0xb1: {  	[dreg:$0x4] =	wrdreg s24  }
0xb2: {  	[dreg:$0x5] =	wrdreg $0x9  }
0xb3: {  	_ =	task.clear_ibuf [dreg:s8], $0x6FFFF;
	_ =	strace $0x90000046  }
0xb4: {  	s29 =	simm.s32 $0x9;
	_ =	strace $0x80000048  }
0xb5: {  	_ =	swait.ge [sflag:s29], $0x1  }
0xb6: {  	[sflag:s29] =	ssyncadd.s32 $0xFFFFFFFF  }
0xb7: {  	_ =	strace $0x90000048  }
0xb8: {  	_ =	sfence  }
0xb9: {  	s30 =	sld [smem:$0x0];
	_ =	sdelay $0x2  }
0xba: {  	s31 =	sshll.u32 s1, $0xD;
	s1 =	sshrl.u32 s1, $0x2  }
0xbb: {  	s3 =	sand.u32 $0x4000, s31;
	s1 =	sadd.s32 s1, s30  }
0xbc: {  	s0 =	sor.u32 s3, s0;
	s1 =	sshll.u32 s1, $0x11  }
0xbd: {  	s0 =	sor.u32 s1, s0  }
0xbe: {  	s0 =	sadd.s32 $0x8F2B, s0  }
0xbf: {  	[sflag:s0] =	ssyncadd.remote.s32 $0x1  }
0xc0: {  	_ =	sfence.sel $0xFFFF  }
0xc1: {  	[dreg:$0x0] =	wrdreg $0xFFFFFFFF;
	(pc) =	sbr.abs _section_cstart, $3  }
0xc2: {  	[dreg:$0x1] =	wrdreg $0xFFFFFFFF  }
0xc3: {  	_ =	task.clear_ibuf [dreg:s8], $0x2FFFF;
	_ =	strace $0x9FFFFFFF  }
0xc4: {  	(tm) =	ssettm $0x7FFFFFFF  }
0xc5: {  	_ =	shalt  }
tec
execute0_lowered:
.L_overlay_start_1:
0x0: {  	(tag) =	ssettag $0x1  }
0x1: {  	s1 =	rddreg [dreg:$0x0]  }
0x2: {  	s2 =	rddreg [dreg:$0x1]  }
0x3: {  	s9 =	rddreg [dreg:$0x2]  }
0x4: {  	s0 =	rddreg [dreg:$0x3];
	s4 =	simm.s32 $0x0  }
0x5: {  	s5 =	srdreg.scid;
	s3 =	stileid.u32;
	s12 =	simm.s32 $0x13D6400  }
0x6: {  	s13 =	simm.s32 $0x8000;
	s14 =	simm.s32 $0x4;
	s15 =	simm.s32 $0xC000  }
0x7: {  	s16 =	simm.s32 $0x0;
	[smem:$0x7FF] =	sst s4;
	s5 =	sand.u32 $0x1, s5  }
.Ltmp0:
0x8: {  	s6 =	sshll.u32 s3, $0x1;
	_ =	strace $0x80000047;
	(pc) =	sbr.rel .LBB2_1-.Ltmp0, $4  }
0x9: {  	s7 =	ssub.s32 $0x2, s5;
	s5 =	sor.u32 s5, s6;
	s6 =	sadd.s32 $0x1400, s9  }
0xa: {  	s9 =	sadd.s32 $0x4F6C00, s9;
	s8 =	sshrl.u32 s7, $0x1;
	s10 =	sshll.u32 s5, $0xA  }
0xb: {  	v0 =	vlaneseq.u32;
	p0 =	sne.s32 s5, $0x0;
	s11 =	ssub.s32 s7, s8;
	s7 =	sadd.s32 s1, s10  }
0xc: {  	v0 =	vmul.u32 $0x10, v0;
	s8 =	sadd.s32 $0x8000, s1;
	s10 =	smax.u32 s11, $0x1;
	s11 =	simm.s32 $0x2000  }
.LBB2_14:
0xd: {  	s17 =	simm.s32 @!p0 $0x0;
	s18 =	simm.s32 @!p0 $0x8000;
	s19 =	simm.s32 @!p0 $0x5  }
0xe: {  	[tilespmem:s18], [sflag:$0x5] =	stream.linear.gather @!p0 [hbm4b:s2+s17], $0x400, $0x38;
	[tilespmem:$0x10000] =	vst v63  }
0xf: {  	s16 =	sadd.s32 $0x1, s16;
	_ =	swait.ge @!p0 [sflag:s19], $0x400  }
0x10: {  	p1 =	sne.s32 s16, s10;
	[sflag:s19] =	ssyncset.done @!p0 $0x0  }
.Ltmp1:
0x11: {  	[sflag:s19] =	ssyncadd.s32 @!p0 $0xFFFFFC00;
	(pc) =	sbr.rel @!p1 .LBB2_15-.Ltmp1, $4  }
0x12: {  	[hbm4b:s9+s17] =	stream.linear.scatter @!p0 [tilespmem:s18], [sflag:$0x5], $0x400, $0x38;
	[tilespmem:$0x10000] =	vst v63  }
0x13: {  	_ =	swait.ge @!p0 [sflag:s19], $0x400  }
0x14: {  	[sflag:s19] =	ssyncset.done @!p0 $0x0  }
0x15: {  	[sflag:s19] =	ssyncadd.s32 @!p0 $0xFFFFFC00  }
.LBB2_1:
.Ltmp2:
0x16: {  	(pc) =	sbr.rel .LBB2_2-.Ltmp2, $3  }
0x17: {  	_ =	sdelay $0x1  }
0x18: {  	[tilespmem:s4], [sflag:$0x1] =	stream.strided.gather [hbm4b:s7+s11], $0x4000, s12, s11, $0x38;
	[tilespmem:$0x10000] =	vst v63  }
0x19: {  	s17 =	simm.s32 $0x0  }
.LBB2_13:
0x1a: {  	s17 =	sadd.s32 $0x1, s17  }
0x1b: {  	p1 =	sne.s32 s17, $0x2A  }
.Ltmp3:
0x1c: {  	_ = 	snop;
	(pc) =	sbr.rel @!p1 .LBB2_14-.Ltmp3, $1  }
0x1d: {  	_ =	sdelay $0x3  }
.LBB2_2:
0x1e: {  	s18 =	sshll.u32 s17, $0x6  }
0x1f: {  	s19 =	sor.u32 s5, s18  }
0x20: {  	p2 =	sgt.u32 s19, $0x9EA;
	s18 =	sor.u32 $0x20, s19  }
0x21: {  	s20 =	simm.s32 @!p2 $0x1;
	p1 =	sgt.u32 s18, $0x9EA  }
0x22: {  	s31 =	sadd.s32 $0xFFFFFFC0, s19;
	_ =	swait.ge @!p2 [sflag:s20], $0x4000;
	s21 =	sshll.u32 @!p1 s18, $0xA  }
0x23: {  	s22 =	simm.s32 @!p1 $0x13D6400;
	s23 =	simm.s32 @!p1 $0x4000;
	[sflag:s20] =	ssyncset.done @!p2 $0x0  }
0x24: {  	[sflag:s20] =	ssyncadd.s32 @!p2 $0xFFFFC000;
	s20 =	sadd.s32 @!p1 s1, s21;
	s21 =	simm.s32 @!p1 $0x2000  }
0x25: {  	[tilespmem:s23], [sflag:$0x2] =	stream.strided.gather @!p1 [hbm4b:s20+s21], $0x4000, s22, s21, $0x38;
	[tilespmem:$0x10000] =	vst v63  }
.Ltmp4:
0x26: {  	p3 =	sgt.u32 s31, $0x9EA;
	(pc) =	sbr.rel @p2 .LBB2_7-.Ltmp4, $4  }
0x27: {  	s20 =	simm.s32 @!p3 $0x3  }
0x28: {  	_ =	swait.ge @!p3 [sflag:s20], $0x4000  }
0x29: {  	[sflag:s20] =	ssyncset.done @!p3 $0x0  }
0x2a: {  	[sflag:s20] =	ssyncadd.s32 @!p3 $0xFFFFC000;
	s20 =	simm.s32 $0x0  }
0x2b: {  	v1 =	vmov s20;
	s21 =	sand.u32 $0x70, s20;
	s22 =	sand.u32 $0x1C00, s20  }
0x2c: {  	v1 =	vshll.u32 v1, $0x4;
	s22 =	sor.u32 s21, s22  }
0x2d: {  	v1 =	vor.u32 v0, v1;
	v2 =	vld [tilespmem:s22+$0x0];
	_ =	sdelay $0x4  }
0x2e: {  	[tilespmem:v1+s13+$0x0] =	vst.idx.msk $0xffff, v2  }
0x2f: {  	v3 =	vor.u32 $0x1, v1;
	v2 =	vld [tilespmem:s22+$0x80];
	_ =	sdelay $0x4  }
0x30: {  	[tilespmem:v3+s13+$0x0] =	vst.idx.msk $0xffff, v2  }
0x31: {  	v3 =	vor.u32 $0x2, v1;
	v2 =	vld [tilespmem:s22+$0x100];
	_ =	sdelay $0x4  }
0x32: {  	[tilespmem:v3+s13+$0x0] =	vst.idx.msk $0xffff, v2  }
0x33: {  	v3 =	vor.u32 $0x3, v1;
	v2 =	vld [tilespmem:s22+$0x180];
	_ =	sdelay $0x4  }
0x34: {  	[tilespmem:v3+s13+$0x0] =	vst.idx.msk $0xffff, v2  }
0x35: {  	v3 =	vor.u32 $0x4, v1;
	v2 =	vld [tilespmem:s22+$0x200];
	_ =	sdelay $0x4  }
0x36: {  	[tilespmem:v3+s13+$0x0] =	vst.idx.msk $0xffff, v2  }
0x37: {  	v3 =	vor.u32 $0x5, v1;
	v2 =	vld [tilespmem:s22+$0x280];
	_ =	sdelay $0x4  }
0x38: {  	[tilespmem:v3+s13+$0x0] =	vst.idx.msk $0xffff, v2  }
0x39: {  	v3 =	vor.u32 $0x6, v1;
	v2 =	vld [tilespmem:s22+$0x300];
	_ =	sdelay $0x3  }
0x3a: {  	s31 =	sor.u32 s20, s20  }
0x3b: {  	s20 =	sor.u32 $0x380, s31;
	[tilespmem:v3+s13+$0x0] =	vst.idx.msk $0xffff, v2  }
0x3c: {  	v3 =	vor.u32 $0x7, v1;
	v2 =	vld [tilespmem:s20+$0x0];
	_ =	sdelay $0x4  }
0x3d: {  	[tilespmem:v3+s13+$0x0] =	vst.idx.msk $0xffff, v2  }
0x3e: {  	v3 =	vor.u32 $0x8, v1;
	v2 =	vld [tilespmem:s22+$0x2000];
	_ =	sdelay $0x4  }
0x3f: {  	[tilespmem:v3+s13+$0x0] =	vst.idx.msk $0xffff, v2  }
0x40: {  	v3 =	vor.u32 $0x9, v1;
	v2 =	vld [tilespmem:s22+$0x2080];
	_ =	sdelay $0x4  }
0x41: {  	[tilespmem:v3+s13+$0x0] =	vst.idx.msk $0xffff, v2  }
0x42: {  	v3 =	vor.u32 $0xA, v1;
	v2 =	vld [tilespmem:s22+$0x2100];
	_ =	sdelay $0x4  }
0x43: {  	[tilespmem:v3+s13+$0x0] =	vst.idx.msk $0xffff, v2  }
0x44: {  	v3 =	vor.u32 $0xB, v1;
	v2 =	vld [tilespmem:s22+$0x2180];
	_ =	sdelay $0x4  }
0x45: {  	[tilespmem:v3+s13+$0x0] =	vst.idx.msk $0xffff, v2  }
0x46: {  	v3 =	vor.u32 $0xC, v1;
	v2 =	vld [tilespmem:s22+$0x2200];
	_ =	sdelay $0x4  }
0x47: {  	[tilespmem:v3+s13+$0x0] =	vst.idx.msk $0xffff, v2  }
0x48: {  	v3 =	vor.u32 $0xD, v1;
	v2 =	vld [tilespmem:s22+$0x2280];
	_ =	sdelay $0x4  }
0x49: {  	[tilespmem:v3+s13+$0x0] =	vst.idx.msk $0xffff, v2  }
0x4a: {  	v3 =	vor.u32 $0xE, v1;
	v2 =	vld [tilespmem:s22+$0x2300];
	_ =	sdelay $0x4  }
0x4b: {  	[tilespmem:v3+s13+$0x0] =	vst.idx.msk $0xffff, v2  }
0x4c: {  	v1 =	vor.u32 $0xF, v1;
	v2 =	vld [tilespmem:s22+$0x2380];
	_ =	sdelay $0x2  }
0x4d: {  	s21 =	simm.s32 $0x80;
	s20 =	simm.s32 $0x10  }
0x4e: {  	s24 =	sand.u32 $0x1C00, s21;
	s23 =	sand.u32 $0x70, s20;
	v3 =	vmov s20;
	s22 =	simm.s32 $0x20  }
.LBB2_4:
0x4f: {  	p2 =	sne.s32 s22, $0x3F0;
	v3 =	vshll.u32 v3, $0x4;
	s23 =	sor.u32 s23, s24;
	[tilespmem:v1+s13+$0x0] =	vst.idx.msk $0xffff, v2  }
0x50: {  	v1 =	vor.u32 v0, v3;
	v2 =	vld [tilespmem:s23+$0x0];
	_ =	sdelay $0x4  }
0x51: {  	[tilespmem:v1+s13+$0x0] =	vst.idx.msk $0xffff, v2  }
0x52: {  	v3 =	vor.u32 $0x1, v1;
	v2 =	vld [tilespmem:s23+$0x80];
	_ =	sdelay $0x4  }
0x53: {  	[tilespmem:v3+s13+$0x0] =	vst.idx.msk $0xffff, v2  }
0x54: {  	v3 =	vor.u32 $0x2, v1;
	v2 =	vld [tilespmem:s23+$0x100];
	_ =	sdelay $0x4  }
0x55: {  	[tilespmem:v3+s13+$0x0] =	vst.idx.msk $0xffff, v2  }
0x56: {  	v3 =	vor.u32 $0x3, v1;
	v2 =	vld [tilespmem:s23+$0x180];
	_ =	sdelay $0x4  }
0x57: {  	[tilespmem:v3+s13+$0x0] =	vst.idx.msk $0xffff, v2  }
0x58: {  	v3 =	vor.u32 $0x4, v1;
	v2 =	vld [tilespmem:s23+$0x200];
	_ =	sdelay $0x4  }
0x59: {  	[tilespmem:v3+s13+$0x0] =	vst.idx.msk $0xffff, v2  }
0x5a: {  	v3 =	vor.u32 $0x5, v1;
	v2 =	vld [tilespmem:s23+$0x280];
	_ =	sdelay $0x4  }
0x5b: {  	[tilespmem:v3+s13+$0x0] =	vst.idx.msk $0xffff, v2  }
0x5c: {  	v3 =	vor.u32 $0x6, v1;
	v2 =	vld [tilespmem:s23+$0x300];
	_ =	sdelay $0x3  }
0x5d: {  	s24 =	sor.u32 s21, s20;
	s20 =	smov.u32 s22  }
0x5e: {  	s24 =	sor.u32 $0x380, s24;
	[tilespmem:v3+s13+$0x0] =	vst.idx.msk $0xffff, v2  }
0x5f: {  	v3 =	vor.u32 $0x7, v1;
	v2 =	vld [tilespmem:s24+$0x0];
	_ =	sdelay $0x4  }
0x60: {  	[tilespmem:v3+s13+$0x0] =	vst.idx.msk $0xffff, v2  }
0x61: {  	v3 =	vor.u32 $0x8, v1;
	v2 =	vld [tilespmem:s23+$0x2000];
	_ =	sdelay $0x4  }
0x62: {  	[tilespmem:v3+s13+$0x0] =	vst.idx.msk $0xffff, v2  }
0x63: {  	v3 =	vor.u32 $0x9, v1;
	v2 =	vld [tilespmem:s23+$0x2080];
	_ =	sdelay $0x4  }
0x64: {  	[tilespmem:v3+s13+$0x0] =	vst.idx.msk $0xffff, v2  }
0x65: {  	v3 =	vor.u32 $0xA, v1;
	v2 =	vld [tilespmem:s23+$0x2100];
	_ =	sdelay $0x4  }
0x66: {  	[tilespmem:v3+s13+$0x0] =	vst.idx.msk $0xffff, v2  }
0x67: {  	v3 =	vor.u32 $0xB, v1;
	v2 =	vld [tilespmem:s23+$0x2180];
	_ =	sdelay $0x4  }
0x68: {  	[tilespmem:v3+s13+$0x0] =	vst.idx.msk $0xffff, v2  }
0x69: {  	v3 =	vor.u32 $0xC, v1;
	v2 =	vld [tilespmem:s23+$0x2200];
	_ =	sdelay $0x4  }
0x6a: {  	[tilespmem:v3+s13+$0x0] =	vst.idx.msk $0xffff, v2  }
0x6b: {  	v3 =	vor.u32 $0xD, v1;
	v2 =	vld [tilespmem:s23+$0x2280];
	_ =	sdelay $0x4  }
0x6c: {  	[tilespmem:v3+s13+$0x0] =	vst.idx.msk $0xffff, v2  }
0x6d: {  	v3 =	vor.u32 $0xE, v1;
	v2 =	vld [tilespmem:s23+$0x2300];
	_ =	sdelay $0x4  }
0x6e: {  	[tilespmem:v3+s13+$0x0] =	vst.idx.msk $0xffff, v2  }
.Ltmp5:
0x6f: {  	v1 =	vor.u32 $0xF, v1;
	v2 =	vld [tilespmem:s23+$0x2380];
	(pc) =	sbr.rel @p2 .LBB2_4-.Ltmp5, $3  }
0x70: {  	_ =	sdelay $0x1  }
0x71: {  	s21 =	sadd.s32 $0x80, s21  }
0x72: {  	s22 =	sadd.s32 $0x10, s22;
	s24 =	sand.u32 $0x1C00, s21;
	v3 =	vmov s20;
	s23 =	sand.u32 $0x70, s20  }
0x73: {  	_ =	sdelay $0x3  }
0x74: {  	v3 =	vshll.u32 v3, $0x4;
	s22 =	sor.u32 s23, s24;
	[tilespmem:v1+s13+$0x0] =	vst.idx.msk $0xffff, v2  }
0x75: {  	v1 =	vor.u32 v0, v3;
	v2 =	vld [tilespmem:s22+$0x0];
	_ =	sdelay $0x4  }
0x76: {  	[tilespmem:v1+s13+$0x0] =	vst.idx.msk $0xffff, v2  }
0x77: {  	v3 =	vor.u32 $0x1, v1;
	v2 =	vld [tilespmem:s22+$0x80];
	_ =	sdelay $0x4  }
0x78: {  	[tilespmem:v3+s13+$0x0] =	vst.idx.msk $0xffff, v2  }
0x79: {  	v3 =	vor.u32 $0x2, v1;
	v2 =	vld [tilespmem:s22+$0x100];
	_ =	sdelay $0x4  }
0x7a: {  	[tilespmem:v3+s13+$0x0] =	vst.idx.msk $0xffff, v2  }
0x7b: {  	v3 =	vor.u32 $0x3, v1;
	v2 =	vld [tilespmem:s22+$0x180];
	_ =	sdelay $0x4  }
0x7c: {  	[tilespmem:v3+s13+$0x0] =	vst.idx.msk $0xffff, v2  }
0x7d: {  	v3 =	vor.u32 $0x4, v1;
	v2 =	vld [tilespmem:s22+$0x200];
	_ =	sdelay $0x4  }
0x7e: {  	[tilespmem:v3+s13+$0x0] =	vst.idx.msk $0xffff, v2  }
0x7f: {  	v3 =	vor.u32 $0x5, v1;
	v2 =	vld [tilespmem:s22+$0x280];
	_ =	sdelay $0x4  }
0x80: {  	[tilespmem:v3+s13+$0x0] =	vst.idx.msk $0xffff, v2  }
0x81: {  	v3 =	vor.u32 $0x6, v1;
	v2 =	vld [tilespmem:s22+$0x300];
	_ =	sdelay $0x3  }
0x82: {  	s20 =	sor.u32 s21, s20  }
0x83: {  	s20 =	sor.u32 $0x380, s20;
	[tilespmem:v3+s13+$0x0] =	vst.idx.msk $0xffff, v2  }
0x84: {  	v3 =	vor.u32 $0x7, v1;
	v2 =	vld [tilespmem:s20+$0x0];
	_ =	sdelay $0x4  }
0x85: {  	[tilespmem:v3+s13+$0x0] =	vst.idx.msk $0xffff, v2  }
0x86: {  	v3 =	vor.u32 $0x8, v1;
	v2 =	vld [tilespmem:s22+$0x2000];
	_ =	sdelay $0x4  }
0x87: {  	[tilespmem:v3+s13+$0x0] =	vst.idx.msk $0xffff, v2  }
0x88: {  	v3 =	vor.u32 $0x9, v1;
	v2 =	vld [tilespmem:s22+$0x2080];
	_ =	sdelay $0x4  }
0x89: {  	[tilespmem:v3+s13+$0x0] =	vst.idx.msk $0xffff, v2  }
0x8a: {  	v3 =	vor.u32 $0xA, v1;
	v2 =	vld [tilespmem:s22+$0x2100];
	_ =	sdelay $0x4  }
0x8b: {  	[tilespmem:v3+s13+$0x0] =	vst.idx.msk $0xffff, v2  }
0x8c: {  	v3 =	vor.u32 $0xB, v1;
	v2 =	vld [tilespmem:s22+$0x2180];
	_ =	sdelay $0x4  }
0x8d: {  	[tilespmem:v3+s13+$0x0] =	vst.idx.msk $0xffff, v2  }
0x8e: {  	v3 =	vor.u32 $0xC, v1;
	v2 =	vld [tilespmem:s22+$0x2200];
	_ =	sdelay $0x4  }
0x8f: {  	[tilespmem:v3+s13+$0x0] =	vst.idx.msk $0xffff, v2  }
0x90: {  	v3 =	vor.u32 $0xD, v1;
	v2 =	vld [tilespmem:s22+$0x2280];
	_ =	sdelay $0x4  }
0x91: {  	[tilespmem:v3+s13+$0x0] =	vst.idx.msk $0xffff, v2  }
0x92: {  	v3 =	vor.u32 $0xE, v1;
	v2 =	vld [tilespmem:s22+$0x2300];
	_ =	sdelay $0x4  }
0x93: {  	[tilespmem:v3+s13+$0x0] =	vst.idx.msk $0xffff, v2  }
0x94: {  	v1 =	vor.u32 $0xF, v1;
	v2 =	vld [tilespmem:s22+$0x2380];
	_ =	sdelay $0x3  }
0x95: {  	s31 =	sshll.u32 s19, $0xB;
	p2 =	sgt.u32 @!p1 s18, $0x9CA  }
0x96: {  	p2 =	por p1, p2;
	s20 =	sadd.s32 s6, s31;
	[tilespmem:v1+s13+$0x0] =	vst.idx.msk $0xffff, v2  }
0x97: {  	[hbm4b:s20+s4] =	stream.linear.scatter [tilespmem:s13], [sflag:$0x3], $0x4000, $0x38;
	[tilespmem:$0x10000] =	vst v63  }
.Ltmp6:
0x98: {  	_ = 	snop;
	(pc) =	sbr.rel @p2 .LBB2_8-.Ltmp6, $4  }
0x99: {  	s20 =	simm.s32 @!p1 $0x2  }
0x9a: {  	_ =	swait.ge @!p1 [sflag:s20], $0x4000  }
0x9b: {  	[sflag:s20] =	ssyncset.done @!p1 $0x0  }
0x9c: {  	[sflag:s20] =	ssyncadd.s32 @!p1 $0xFFFFC000  }
0x9d: {  	s20 =	sshll.u32 s18, $0xA  }
0x9e: {  	s20 =	sadd.s32 s20, s8  }
0x9f: {  	[tilespmem:s4], [sflag:$0x1] =	stream.strided.gather [hbm4b:s20+s11], $0x4000, s12, s11, $0x38;
	[tilespmem:$0x10000] =	vst v63  }
.LBB2_7:
0xa0: {  	s19 =	sadd.s32 $0xFFFFFFE0, s19  }
0xa1: {  	p2 =	sgt.u32 s19, $0x9EA  }
.Ltmp7:
0xa2: {  	_ = 	snop;
	(pc) =	sbr.rel @p2 .LBB2_9-.Ltmp7, $1  }
0xa3: {  	_ =	sdelay $0x3  }
.LBB2_8:
0xa4: {  	_ =	swait.ge [sflag:s14], $0x4000  }
0xa5: {  	[sflag:s14] =	ssyncset.done $0x0  }
0xa6: {  	[sflag:s14] =	ssyncadd.s32 $0xFFFFC000  }
.LBB2_9:
.Ltmp8:
0xa7: {  	(pc) =	sbr.rel @p1 .LBB2_13-.Ltmp8, $2  }
0xa8: {  	_ =	sdelay $0x2  }
0xa9: {  	s19 =	simm.s32 $0x0  }
0xaa: {  	v1 =	vmov s19;
	s20 =	sand.u32 $0x70, s19;
	s21 =	sand.u32 $0x1C00, s19  }
0xab: {  	v1 =	vshll.u32 v1, $0x4;
	s21 =	sor.u32 s20, s21  }
0xac: {  	v1 =	vor.u32 v0, v1;
	v2 =	vld [tilespmem:s21+$0x4000];
	_ =	sdelay $0x4  }
0xad: {  	[tilespmem:v1+s15+$0x0] =	vst.idx.msk $0xffff, v2  }
0xae: {  	v3 =	vor.u32 $0x1, v1;
	v2 =	vld [tilespmem:s21+$0x4080];
	_ =	sdelay $0x4  }
0xaf: {  	[tilespmem:v3+s15+$0x0] =	vst.idx.msk $0xffff, v2  }
0xb0: {  	v3 =	vor.u32 $0x2, v1;
	v2 =	vld [tilespmem:s21+$0x4100];
	_ =	sdelay $0x4  }
0xb1: {  	[tilespmem:v3+s15+$0x0] =	vst.idx.msk $0xffff, v2  }
0xb2: {  	v3 =	vor.u32 $0x3, v1;
	v2 =	vld [tilespmem:s21+$0x4180];
	_ =	sdelay $0x4  }
0xb3: {  	[tilespmem:v3+s15+$0x0] =	vst.idx.msk $0xffff, v2  }
0xb4: {  	v3 =	vor.u32 $0x4, v1;
	v2 =	vld [tilespmem:s21+$0x4200];
	_ =	sdelay $0x4  }
0xb5: {  	[tilespmem:v3+s15+$0x0] =	vst.idx.msk $0xffff, v2  }
0xb6: {  	v3 =	vor.u32 $0x5, v1;
	v2 =	vld [tilespmem:s21+$0x4280];
	_ =	sdelay $0x4  }
0xb7: {  	[tilespmem:v3+s15+$0x0] =	vst.idx.msk $0xffff, v2  }
0xb8: {  	v3 =	vor.u32 $0x6, v1;
	v2 =	vld [tilespmem:s21+$0x4300];
	_ =	sdelay $0x3  }
0xb9: {  	s31 =	sor.u32 s19, s19  }
0xba: {  	s19 =	sor.u32 $0x380, s31;
	[tilespmem:v3+s15+$0x0] =	vst.idx.msk $0xffff, v2  }
0xbb: {  	v3 =	vor.u32 $0x7, v1;
	v2 =	vld [tilespmem:s19+$0x4000];
	_ =	sdelay $0x4  }
0xbc: {  	[tilespmem:v3+s15+$0x0] =	vst.idx.msk $0xffff, v2  }
0xbd: {  	v3 =	vor.u32 $0x8, v1;
	v2 =	vld [tilespmem:s21+$0x6000];
	_ =	sdelay $0x4  }
0xbe: {  	[tilespmem:v3+s15+$0x0] =	vst.idx.msk $0xffff, v2  }
0xbf: {  	v3 =	vor.u32 $0x9, v1;
	v2 =	vld [tilespmem:s21+$0x6080];
	_ =	sdelay $0x4  }
0xc0: {  	[tilespmem:v3+s15+$0x0] =	vst.idx.msk $0xffff, v2  }
0xc1: {  	v3 =	vor.u32 $0xA, v1;
	v2 =	vld [tilespmem:s21+$0x6100];
	_ =	sdelay $0x4  }
0xc2: {  	[tilespmem:v3+s15+$0x0] =	vst.idx.msk $0xffff, v2  }
0xc3: {  	v3 =	vor.u32 $0xB, v1;
	v2 =	vld [tilespmem:s21+$0x6180];
	_ =	sdelay $0x4  }
0xc4: {  	[tilespmem:v3+s15+$0x0] =	vst.idx.msk $0xffff, v2  }
0xc5: {  	v3 =	vor.u32 $0xC, v1;
	v2 =	vld [tilespmem:s21+$0x6200];
	_ =	sdelay $0x4  }
0xc6: {  	[tilespmem:v3+s15+$0x0] =	vst.idx.msk $0xffff, v2  }
0xc7: {  	v3 =	vor.u32 $0xD, v1;
	v2 =	vld [tilespmem:s21+$0x6280];
	_ =	sdelay $0x4  }
0xc8: {  	[tilespmem:v3+s15+$0x0] =	vst.idx.msk $0xffff, v2  }
0xc9: {  	v3 =	vor.u32 $0xE, v1;
	v2 =	vld [tilespmem:s21+$0x6300];
	_ =	sdelay $0x4  }
0xca: {  	[tilespmem:v3+s15+$0x0] =	vst.idx.msk $0xffff, v2  }
0xcb: {  	v1 =	vor.u32 $0xF, v1;
	v2 =	vld [tilespmem:s21+$0x6380];
	_ =	sdelay $0x2  }
0xcc: {  	s20 =	simm.s32 $0x80;
	s19 =	simm.s32 $0x10  }
0xcd: {  	s23 =	sand.u32 $0x1C00, s20;
	s22 =	sand.u32 $0x70, s19;
	v3 =	vmov s19;
	s21 =	simm.s32 $0x20  }
.LBB2_11:
0xce: {  	p1 =	sne.s32 s21, $0x3F0;
	v3 =	vshll.u32 v3, $0x4;
	s22 =	sor.u32 s22, s23;
	[tilespmem:v1+s15+$0x0] =	vst.idx.msk $0xffff, v2  }
0xcf: {  	v1 =	vor.u32 v0, v3;
	v2 =	vld [tilespmem:s22+$0x4000];
	_ =	sdelay $0x4  }
0xd0: {  	[tilespmem:v1+s15+$0x0] =	vst.idx.msk $0xffff, v2  }
0xd1: {  	v3 =	vor.u32 $0x1, v1;
	v2 =	vld [tilespmem:s22+$0x4080];
	_ =	sdelay $0x4  }
0xd2: {  	[tilespmem:v3+s15+$0x0] =	vst.idx.msk $0xffff, v2  }
0xd3: {  	v3 =	vor.u32 $0x2, v1;
	v2 =	vld [tilespmem:s22+$0x4100];
	_ =	sdelay $0x4  }
0xd4: {  	[tilespmem:v3+s15+$0x0] =	vst.idx.msk $0xffff, v2  }
0xd5: {  	v3 =	vor.u32 $0x3, v1;
	v2 =	vld [tilespmem:s22+$0x4180];
	_ =	sdelay $0x4  }
0xd6: {  	[tilespmem:v3+s15+$0x0] =	vst.idx.msk $0xffff, v2  }
0xd7: {  	v3 =	vor.u32 $0x4, v1;
	v2 =	vld [tilespmem:s22+$0x4200];
	_ =	sdelay $0x4  }
0xd8: {  	[tilespmem:v3+s15+$0x0] =	vst.idx.msk $0xffff, v2  }
0xd9: {  	v3 =	vor.u32 $0x5, v1;
	v2 =	vld [tilespmem:s22+$0x4280];
	_ =	sdelay $0x4  }
0xda: {  	[tilespmem:v3+s15+$0x0] =	vst.idx.msk $0xffff, v2  }
0xdb: {  	v3 =	vor.u32 $0x6, v1;
	v2 =	vld [tilespmem:s22+$0x4300];
	_ =	sdelay $0x3  }
0xdc: {  	s23 =	sor.u32 s20, s19;
	s19 =	smov.u32 s21  }
0xdd: {  	s23 =	sor.u32 $0x380, s23;
	[tilespmem:v3+s15+$0x0] =	vst.idx.msk $0xffff, v2  }
0xde: {  	v3 =	vor.u32 $0x7, v1;
	v2 =	vld [tilespmem:s23+$0x4000];
	_ =	sdelay $0x4  }
0xdf: {  	[tilespmem:v3+s15+$0x0] =	vst.idx.msk $0xffff, v2  }
0xe0: {  	v3 =	vor.u32 $0x8, v1;
	v2 =	vld [tilespmem:s22+$0x6000];
	_ =	sdelay $0x4  }
0xe1: {  	[tilespmem:v3+s15+$0x0] =	vst.idx.msk $0xffff, v2  }
0xe2: {  	v3 =	vor.u32 $0x9, v1;
	v2 =	vld [tilespmem:s22+$0x6080];
	_ =	sdelay $0x4  }
0xe3: {  	[tilespmem:v3+s15+$0x0] =	vst.idx.msk $0xffff, v2  }
0xe4: {  	v3 =	vor.u32 $0xA, v1;
	v2 =	vld [tilespmem:s22+$0x6100];
	_ =	sdelay $0x4  }
0xe5: {  	[tilespmem:v3+s15+$0x0] =	vst.idx.msk $0xffff, v2  }
0xe6: {  	v3 =	vor.u32 $0xB, v1;
	v2 =	vld [tilespmem:s22+$0x6180];
	_ =	sdelay $0x4  }
0xe7: {  	[tilespmem:v3+s15+$0x0] =	vst.idx.msk $0xffff, v2  }
0xe8: {  	v3 =	vor.u32 $0xC, v1;
	v2 =	vld [tilespmem:s22+$0x6200];
	_ =	sdelay $0x4  }
0xe9: {  	[tilespmem:v3+s15+$0x0] =	vst.idx.msk $0xffff, v2  }
0xea: {  	v3 =	vor.u32 $0xD, v1;
	v2 =	vld [tilespmem:s22+$0x6280];
	_ =	sdelay $0x4  }
0xeb: {  	[tilespmem:v3+s15+$0x0] =	vst.idx.msk $0xffff, v2  }
0xec: {  	v3 =	vor.u32 $0xE, v1;
	v2 =	vld [tilespmem:s22+$0x6300];
	_ =	sdelay $0x4  }
0xed: {  	[tilespmem:v3+s15+$0x0] =	vst.idx.msk $0xffff, v2  }
.Ltmp9:
0xee: {  	v1 =	vor.u32 $0xF, v1;
	v2 =	vld [tilespmem:s22+$0x6380];
	(pc) =	sbr.rel @p1 .LBB2_11-.Ltmp9, $3  }
0xef: {  	_ =	sdelay $0x1  }
0xf0: {  	s20 =	sadd.s32 $0x80, s20  }
0xf1: {  	s21 =	sadd.s32 $0x10, s21;
	s23 =	sand.u32 $0x1C00, s20;
	v3 =	vmov s19;
	s22 =	sand.u32 $0x70, s19  }
0xf2: {  	_ =	sdelay $0x3  }
0xf3: {  	v3 =	vshll.u32 v3, $0x4;
	s21 =	sor.u32 s22, s23;
	[tilespmem:v1+s15+$0x0] =	vst.idx.msk $0xffff, v2  }
0xf4: {  	v1 =	vor.u32 v0, v3;
	v2 =	vld [tilespmem:s21+$0x4000];
	_ =	sdelay $0x4  }
0xf5: {  	[tilespmem:v1+s15+$0x0] =	vst.idx.msk $0xffff, v2  }
0xf6: {  	v3 =	vor.u32 $0x1, v1;
	v2 =	vld [tilespmem:s21+$0x4080];
	_ =	sdelay $0x4  }
0xf7: {  	[tilespmem:v3+s15+$0x0] =	vst.idx.msk $0xffff, v2  }
0xf8: {  	v3 =	vor.u32 $0x2, v1;
	v2 =	vld [tilespmem:s21+$0x4100];
	_ =	sdelay $0x4  }
0xf9: {  	[tilespmem:v3+s15+$0x0] =	vst.idx.msk $0xffff, v2  }
0xfa: {  	v3 =	vor.u32 $0x3, v1;
	v2 =	vld [tilespmem:s21+$0x4180];
	_ =	sdelay $0x4  }
0xfb: {  	[tilespmem:v3+s15+$0x0] =	vst.idx.msk $0xffff, v2  }
0xfc: {  	v3 =	vor.u32 $0x4, v1;
	v2 =	vld [tilespmem:s21+$0x4200];
	_ =	sdelay $0x4  }
0xfd: {  	[tilespmem:v3+s15+$0x0] =	vst.idx.msk $0xffff, v2  }
0xfe: {  	v3 =	vor.u32 $0x5, v1;
	v2 =	vld [tilespmem:s21+$0x4280];
	_ =	sdelay $0x4  }
0xff: {  	[tilespmem:v3+s15+$0x0] =	vst.idx.msk $0xffff, v2  }
0x100: {  	v3 =	vor.u32 $0x6, v1;
	v2 =	vld [tilespmem:s21+$0x4300];
	_ =	sdelay $0x3  }
0x101: {  	s19 =	sor.u32 s20, s19  }
0x102: {  	s19 =	sor.u32 $0x380, s19;
	[tilespmem:v3+s15+$0x0] =	vst.idx.msk $0xffff, v2  }
0x103: {  	v3 =	vor.u32 $0x7, v1;
	v2 =	vld [tilespmem:s19+$0x4000];
	_ =	sdelay $0x4  }
0x104: {  	[tilespmem:v3+s15+$0x0] =	vst.idx.msk $0xffff, v2  }
0x105: {  	v3 =	vor.u32 $0x8, v1;
	v2 =	vld [tilespmem:s21+$0x6000];
	_ =	sdelay $0x4  }
0x106: {  	[tilespmem:v3+s15+$0x0] =	vst.idx.msk $0xffff, v2  }
0x107: {  	v3 =	vor.u32 $0x9, v1;
	v2 =	vld [tilespmem:s21+$0x6080];
	_ =	sdelay $0x4  }
0x108: {  	[tilespmem:v3+s15+$0x0] =	vst.idx.msk $0xffff, v2  }
0x109: {  	v3 =	vor.u32 $0xA, v1;
	v2 =	vld [tilespmem:s21+$0x6100];
	_ =	sdelay $0x4  }
0x10a: {  	[tilespmem:v3+s15+$0x0] =	vst.idx.msk $0xffff, v2  }
0x10b: {  	v3 =	vor.u32 $0xB, v1;
	v2 =	vld [tilespmem:s21+$0x6180];
	_ =	sdelay $0x4  }
0x10c: {  	[tilespmem:v3+s15+$0x0] =	vst.idx.msk $0xffff, v2  }
0x10d: {  	v3 =	vor.u32 $0xC, v1;
	v2 =	vld [tilespmem:s21+$0x6200];
	_ =	sdelay $0x4  }
0x10e: {  	[tilespmem:v3+s15+$0x0] =	vst.idx.msk $0xffff, v2  }
0x10f: {  	v3 =	vor.u32 $0xD, v1;
	v2 =	vld [tilespmem:s21+$0x6280];
	_ =	sdelay $0x4  }
0x110: {  	[tilespmem:v3+s15+$0x0] =	vst.idx.msk $0xffff, v2  }
0x111: {  	v3 =	vor.u32 $0xE, v1;
	v2 =	vld [tilespmem:s21+$0x6300];
	_ =	sdelay $0x4  }
0x112: {  	[tilespmem:v3+s15+$0x0] =	vst.idx.msk $0xffff, v2  }
0x113: {  	v1 =	vor.u32 $0xF, v1;
	v2 =	vld [tilespmem:s21+$0x6380];
	_ =	sdelay $0x1  }
.Ltmp10:
0x114: {  	_ = 	snop;
	(pc) =	sbr.rel .LBB2_13-.Ltmp10, $4  }
0x115: {  	_ = 	snop  }
0x116: {  	s18 =	sshll.u32 s18, $0xB  }
0x117: {  	s18 =	sadd.s32 s6, s18;
	[tilespmem:v1+s15+$0x0] =	vst.idx.msk $0xffff, v2  }
0x118: {  	[hbm4b:s18+s4] =	stream.linear.scatter [tilespmem:s15], [sflag:$0x4], $0x4000, $0x38;
	[tilespmem:$0x10000] =	vst v63  }
.LBB2_15:
0x119: {  	_ =	sfence.sel $0x180000  }
0x11a: {  	[bflag:$0x0] =	sbarrier.arrive $0xFFFF  }
0x11b: {  	p0 =	sne.s32 s3, $0x0;
	_ =	strace $0x90000047  }
0x11c: {  	s0 =	sadd.s32 @!p0 $0x100000, s0;
	[bflag:$0x2] =	sbarrier.arrive $0xFFFF  }
0x11d: {  	[sflag:s0] =	ssyncadd.tile.s32 @!p0 $0x1;
	_ =	shalt  }
.Lfunc_end2:
_tile_overlayer_lowered:
.L_overlay_start_2:
0x11e: {  	(tag) =	ssettag $0x2  }
0x11f: {  	s0 =	rddreg [dreg:$0x0];
	s2 =	stileid.u32  }
0x120: {  	s1 =	rddreg [dreg:$0x1];
	p0 =	sne.s32 s2, $0x0  }
0x121: {  	s3 =	rddreg [dreg:$0x2];
	[bflag:$0x3] =	sbarrier.arrive $0xFFFF;
	s2 =	simm.s32 @!p0 $0x1C05  }
0x122: {  	[timem:s3], [sflag:s2] =	dma.local @!p0 [hbm:s0], s1  }
0x123: {  	s0 =	simm.s32 @!p0 $0x5  }
0x124: {  	_ =	swait.ge @!p0 [sflag:s0], s1  }
0x125: {  	s1 =	ssub.s32 @!p0 $0x0, s1;
	[sflag:s0] =	ssyncset.done @!p0 $0x0  }
0x126: {  	[sflag:s0] =	ssyncadd.s32 @!p0 s1  }
0x127: {  	[bflag:$0x3] =	sbarrier.arrive $0xFFFF  }
0x128: {  	_ =	shalt  }

// kernel: kernel.8.cloned.1.call-start
scs
__scs_entry_jumppad:
0x0: {  	(pc) =	sbr.rel $0x88, $3  }
0x1: {  	(tag) =	ssettag $0x0;
	lr =	simm.s32 $0x1  }
0x2: {  	[smem:$0x3F94] =	sst lr;
	_ =	strace $0xD0000000  }
0x3: {  	_ = 	snop  }
0x4: {  	_ = 	snop  }
0x5: {  	_ = 	snop  }
0x6: {  	_ = 	snop  }
0x7: {  	_ = 	snop  }
__scs_overlays_trampoline_lowered:
0x8: {  	[smem:$0x3FA3] =	sst s0  }
0x9: {  	[smem:$0x3FA4] =	sst s1  }
0xa: {  	[smem:$0x3FA5] =	sst s2  }
0xb: {  	[smem:$0x3FA6] =	sst s3  }
0xc: {  	[smem:$0x3FA7] =	sst s4  }
0xd: {  	[smem:$0x3FA8] =	sst s5  }
0xe: {  	[smem:$0x3FA9] =	sst s6  }
0xf: {  	[smem:$0x3FAA] =	sst s7  }
0x10: {  	[smem:$0x3FAB] =	sst s8  }
0x11: {  	[smem:$0x3FAC] =	sst s9;
	s0 =	simm.s32 @!p0 $0x0  }
0x12: {  	s1 =	sld [smem:$0x3F92];
	s0 =	simm.s32 @p0 $0x1  }
0x13: {  	[smem:$0x3FAD] =	sst s0;
	s0 =	simm.s32 @!p1 $0x0  }
0x14: {  	s2 =	sld [smem:$0x3F91];
	s0 =	simm.s32 @p1 $0x1  }
0x15: {  	[smem:$0x3FAE] =	sst s0;
	s0 =	simm.s32 @!p2 $0x0  }
0x16: {  	s3 =	sld [smem:$0x3FDB];
	s0 =	simm.s32 @p2 $0x1  }
0x17: {  	s4 =	simm.s32 $0x1BF5;
	[smem:$0x3FB0] =	sst s0  }
0x18: {  	s0 =	sld [smem:$0x3F93];
	_ =	swait.ge [sflag:s4], $0x0  }
0x19: {  	s7 =	sld [smem:$0x3F94]  }
0x1a: {  	s8 =	sadd.s32 $0xFFFFE003, lr  }
0x1b: {  	s9 =	sadd.s32 $0xFFFFFEF7, lr;
	s5 =	simm.s32 $0xFFFFFFFF;
	p2 =	slt.u32 s8, $0xFFFFF086  }
0x1c: {  	p1 =	slt.u32 s9, $0xF7A;
	s5 =	simm.s32 @!p2 $0x0  }
0x1d: {  	s5 =	simm.s32 @p1 $0x1;
	p0 =	seq.s32 s7, s2  }
0x1e: {  	s7 =	smul.u32 @!p0 $0xF7A, s2;
	p2 =	seq.s32 @!p0 s5, $0x0  }
0x1f: {  	s9 =	smul.u32 $0xF7A, s1;
	s8 =	simm.s32 @!p0 $0x1BF5;
	p2 =	por !p2, p0  }
0x20: {  	[sflag:s8] =	ssyncset.s32 @!p0 $0xFFFFF086;
	s6 =	sadd.s32 @!p0 s3, s7;
	s7 =	simm.s32 @!p0 $0x108  }
0x21: {  	s3 =	sadd.s32 s3, s9;
	s6 =	sadd.s32 @!p0 $0x88, s6;
	s7 =	simm.s32 @p2 $0x1082  }
0x22: {  	[simem:s7], [sflag:s8] =	dma.local @!p0 [hbm:s6], $0xF7A  }
0x23: {  	s9 =	sor.u32 $0xD0000000, s2;
	s6 =	simm.s32 $0x108;
	_ =	swait.ge @!p0 [sflag:s8], $0x0  }
0x24: {  	s3 =	sadd.s32 $0x88, s3;
	s6 =	simm.s32 @!p1 $0x1082;
	[sflag:s4] =	ssyncset.s32 $0xFFFFF086  }
0x25: {  	[simem:s6], [sflag:s4] =	dma.local [hbm:s3], $0xF7A  }
0x26: {  	[smem:$0x3F94] =	sst s1;
	(tag) =	ssettag s2;
	_ =	strace s9  }
0x27: {  	s1 =	sld [smem:$0x3FA4]  }
0x28: {  	s2 =	sld [smem:$0x3FA5]  }
0x29: {  	s4 =	sld [smem:$0x3FA7]  }
0x2a: {  	p0 =	seq.s32 s5, $0x0;
	s5 =	sld [smem:$0x3FA8]  }
0x2b: {  	s6 =	sld [smem:$0x3FA9]  }
0x2c: {  	s7 =	sld [smem:$0x3FAA]  }
0x2d: {  	s3 =	simm.s32 $0x108;
	s8 =	sld [smem:$0x3FAB]  }
0x2e: {  	s3 =	simm.s32 @!p0 $0x1082;
	s9 =	sld [smem:$0x3FAC]  }
0x2f: {  	lr =	sadd.s32 s0, s3;
	s0 =	sld [smem:$0x3FA3]  }
0x30: {  	s3 =	sld [smem:$0x3FA6]  }
0x31: {  	[smem:$0x3FAF] =	sst s10  }
0x32: {  	s10 =	sld [smem:$0x3FAD];
	_ =	sdelay $0x3  }
0x33: {  	p0 =	seq.s32 s10, $0x1;
	s10 =	sld [smem:$0x3FAF];
	_ =	sdelay $0x3  }
0x34: {  	[smem:$0x3FAF] =	sst s10  }
0x35: {  	s10 =	sld [smem:$0x3FAE];
	_ =	sdelay $0x3  }
0x36: {  	p1 =	seq.s32 s10, $0x1;
	s10 =	sld [smem:$0x3FAF];
	_ =	sdelay $0x3  }
0x37: {  	[smem:$0x3FAF] =	sst s10  }
0x38: {  	s10 =	sld [smem:$0x3FB0]  }
0x39: {  	_ = 	snop;
	(pc) =	sbr.ind lr, $3  }
0x3a: {  	_ = 	snop  }
0x3b: {  	_ = 	snop  }
0x3c: {  	p2 =	seq.s32 s10, $0x1;
	s10 =	sld [smem:$0x3FAF]  }
0x3d: {  	_ =	shalt  }
0x3e: {  	_ =	shalt  }
0x3f: {  	_ =	shalt  }
0x40: {  	_ =	shalt  }
0x41: {  	_ =	shalt  }
0x42: {  	_ =	shalt  }
0x43: {  	_ =	shalt  }
0x44: {  	_ =	shalt  }
0x45: {  	_ =	shalt  }
0x46: {  	_ =	shalt  }
0x47: {  	_ =	shalt  }
0x48: {  	_ =	shalt  }
0x49: {  	_ =	shalt  }
0x4a: {  	_ =	shalt  }
0x4b: {  	_ =	shalt  }
0x4c: {  	_ =	shalt  }
0x4d: {  	_ =	shalt  }
0x4e: {  	_ =	shalt  }
0x4f: {  	_ =	shalt  }
0x50: {  	_ =	shalt  }
0x51: {  	_ =	shalt  }
0x52: {  	_ =	shalt  }
0x53: {  	_ =	shalt  }
0x54: {  	_ =	shalt  }
0x55: {  	_ =	shalt  }
0x56: {  	_ =	shalt  }
0x57: {  	_ =	shalt  }
0x58: {  	_ =	shalt  }
0x59: {  	_ =	shalt  }
0x5a: {  	_ =	shalt  }
0x5b: {  	_ =	shalt  }
0x5c: {  	_ =	shalt  }
0x5d: {  	_ =	shalt  }
0x5e: {  	_ =	shalt  }
0x5f: {  	_ =	shalt  }
0x60: {  	_ =	shalt  }
0x61: {  	_ =	shalt  }
0x62: {  	_ =	shalt  }
0x63: {  	_ =	shalt  }
0x64: {  	_ =	shalt  }
0x65: {  	_ =	shalt  }
0x66: {  	_ =	shalt  }
0x67: {  	_ =	shalt  }
0x68: {  	_ =	shalt  }
0x69: {  	_ =	shalt  }
0x6a: {  	_ =	shalt  }
0x6b: {  	_ =	shalt  }
0x6c: {  	_ =	shalt  }
0x6d: {  	_ =	shalt  }
0x6e: {  	_ =	shalt  }
0x6f: {  	_ =	shalt  }
0x70: {  	_ =	shalt  }
0x71: {  	_ =	shalt  }
0x72: {  	_ =	shalt  }
0x73: {  	_ =	shalt  }
0x74: {  	_ =	shalt  }
0x75: {  	_ =	shalt  }
0x76: {  	_ =	shalt  }
0x77: {  	_ =	shalt  }
0x78: {  	_ =	shalt  }
0x79: {  	_ =	shalt  }
0x7a: {  	_ =	shalt  }
0x7b: {  	_ =	shalt  }
0x7c: {  	_ =	shalt  }
0x7d: {  	_ =	shalt  }
0x7e: {  	_ =	shalt  }
0x7f: {  	_ =	shalt  }
0x80: {  	_ =	shalt  }
0x81: {  	_ =	shalt  }
0x82: {  	_ =	shalt  }
0x83: {  	_ =	shalt  }
0x84: {  	_ =	shalt  }
0x85: {  	_ =	shalt  }
0x86: {  	_ =	shalt  }
0x87: {  	_ =	shalt  }
.Lfunc_end0:
.L_simem_size_0:
called_computation.1_lowered:
.L_overlay_start_0:
0x88: {  	s2 =	sld [smem:$0x3FD9]  }
0x89: {  	s3 =	sld [smem:$0x3FFE];
	_ =	sdelay $0x1  }
0x8a: {  	s1 =	srdreg.scid  }
0x8b: {  	s0 =	sand.u32 $0x1, s1  }
0x8c: {  	s17 =	sshll.u32 s0, $0xA;
	s2 =	sadd.s32 s3, s2  }
0x8d: {  	s2 =	sadd.s32 s2, s17  }
0x8e: {  	[smem:$0x3FBB] =	sst s2  }
0x8f: {  	_ = 	snop  }
0x90: {  	s2 =	sld [smem:$0x3FD0];
	(tm) =	ssettm $0x1  }
0x91: {  	s18 =	sld [smem:$0x3FFB];
	_ =	sdelay $0x3  }
0x92: {  	_ =	strace s18  }
0x93: {  	s3 =	sld [smem:$0x3FFC];
	_ =	sdelay $0x3  }
0x94: {  	_ =	strace s3  }
0x95: {  	s3 =	sld [smem:$0x3FFD];
	_ =	sdelay $0x3  }
0x96: {  	_ =	strace s3  }
0x97: {  	_ =	strace $0x8FFFFFFF  }
0x98: {  	s19 =	sld [smem:$0x3FDB];
	_ =	sdelay $0x1  }
0x99: {  	s4 =	simm.s32 $_scs_section_size  }
0x9a: {  	s5 =	simm.s32 $_size__tile_overlayer_lowered;
	s6 =	simm.s32 $_tile_overlayer_lowered  }
0x9b: {  	s22 =	simm.s32 $0x1BFF;
	s21 =	sshll.u32 s6, $0x1;
	s3 =	sadd.s32 s4, s19  }
0x9c: {  	s7 =	simm.s32 $0x0;
	s20 =	sshll.u32 s5, $0x1;
	s5 =	sadd.s32 s21, s3  }
0x9d: {  	[timem:s7], [sflag:s22] =	dma.local [hbm:s5], s20  }
0x9e: {  	_ =	swait.ge [sflag:s22], s20  }
0x9f: {  	s4 =	ssub.s32 $0x0, s20;
	[sflag:s22] =	ssyncset.done $0x0  }
0xa0: {  	[sflag:s22] =	ssyncadd.s32 s4;
	_ =	sdelay $0x1  }
0xa1: {  	s23 =	simm.s32 $0x1B8B  }
0xa2: {  	_ =	swait.ge [sflag:s23], $0x1  }
0xa3: {  	[sflag:s23] =	ssyncset.done $0x0  }
0xa4: {  	s25 =	simm.s32 $0x1B8E;
	s24 =	sld [smem:$0x3FFE];
	[sflag:s23] =	ssyncadd.s32 $0xFFFFFFFF  }
0xa5: {  	s26 =	simm.s32 $execute0_lowered;
	[smem:$0x3FD2] =	sst s25  }
0xa6: {  	s5 =	sshll.u32 s26, $0x1;
	_ =	strace $0x80000049;
	[dreg:$0x1] =	wrdreg $0xFFFFFFFF  }
0xa7: {  	s28 =	simm.s32 $_size_execute0_lowered;
	s3 =	sadd.s32 s3, s5;
	[dreg:$0x0] =	wrdreg $0x0  }
0xa8: {  	s5 =	sshll.u32 s28, $0x1;
	[dreg:$0x2] =	wrdreg s3  }
0xa9: {  	[dreg:$0x3] =	wrdreg s5  }
0xaa: {  	[dreg:$0x4] =	wrdreg $0xC0  }
0xab: {  	_ =	task [dreg:s7], $0x5FFFF  }
0xac: {  	[dreg:$0x1] =	wrdreg $0xFFFFFFFF  }
0xad: {  	[dreg:$0x0] =	wrdreg $0x60  }
0xae: {  	[dreg:$0x2] =	wrdreg s24  }
0xaf: {  	[dreg:$0x3] =	wrdreg s2  }
0xb0: {  	[dreg:$0x4] =	wrdreg $0x9  }
0xb1: {  	_ =	task.clear_ibuf [dreg:s7], $0x5FFFF;
	_ =	strace $0x90000049  }
0xb2: {  	s29 =	simm.s32 $0x9;
	_ =	strace $0x8000004B  }
0xb3: {  	_ =	swait.ge [sflag:s29], $0x1  }
0xb4: {  	[sflag:s29] =	ssyncadd.s32 $0xFFFFFFFF  }
0xb5: {  	_ =	strace $0x9000004B  }
0xb6: {  	_ =	sfence  }
0xb7: {  	s30 =	sld [smem:$0x0];
	_ =	sdelay $0x2  }
0xb8: {  	s31 =	sshll.u32 s1, $0xD;
	s1 =	sshrl.u32 s1, $0x2  }
0xb9: {  	s3 =	sand.u32 $0x4000, s31;
	s1 =	sadd.s32 s1, s30  }
0xba: {  	s0 =	sor.u32 s3, s0;
	s1 =	sshll.u32 s1, $0x11  }
0xbb: {  	s0 =	sor.u32 s1, s0  }
0xbc: {  	s0 =	sadd.s32 $0x8F2B, s0  }
0xbd: {  	[sflag:s0] =	ssyncadd.remote.s32 $0x1  }
0xbe: {  	_ =	sfence.sel $0xFFFF  }
0xbf: {  	[dreg:$0x0] =	wrdreg $0xFFFFFFFF;
	(pc) =	sbr.abs _section_cstart, $3  }
0xc0: {  	[dreg:$0x1] =	wrdreg $0xFFFFFFFF  }
0xc1: {  	_ =	task.clear_ibuf [dreg:s7], $0x2FFFF;
	_ =	strace $0x9FFFFFFF  }
0xc2: {  	(tm) =	ssettm $0x7FFFFFFF  }
0xc3: {  	_ =	shalt  }
tec
execute0_lowered:
.L_overlay_start_1:
0x0: {  	(tag) =	ssettag $0x1  }
0x1: {  	s5 =	rddreg [dreg:$0x0]  }
0x2: {  	s1 =	srdreg.scid;
	s0 =	stileid.u32  }
0x3: {  	s14 =	rddreg [dreg:$0x1];
	s2 =	simm.s32 $0x0;
	s19 =	simm.s32 $0xDD00  }
0x4: {  	s20 =	simm.s32 $0x3400;
	s21 =	simm.s32 $0x11100;
	s22 =	simm.s32 $0x14500  }
0x5: {  	s23 =	simm.s32 $0x0;
	s6 =	sand.u32 $0x1, s1;
	s1 =	rddreg [dreg:$0x2]  }
0x6: {  	s3 =	sshll.u32 s0, $0x1;
	[smem:$0x7FF] =	sst s2;
	s11 =	sadd.s32 $0x4F6E00, s5  }
0x7: {  	s4 =	sadd.s32 $0x510E00, s5;
	s15 =	sadd.s32 $0x560400, s5;
	s12 =	sor.u32 s6, s3  }
0x8: {  	_ =	strace $0x8000004A;
	s6 =	ssub.s32 $0x2, s6;
	s9 =	smul.u32 $0x3400, s12  }
0x9: {  	s24 =	sshrl.u32 s6, $0x1;
	s8 =	smul.u32 $0x6800, s12;
	s31 =	sshll.u32 s12, $0x6  }
0xa: {  	s3 =	sadd.s32 $0x1400, s5;
	s16 =	ssub.s32 s6, s24;
	s14 =	sadd.s32 s14, s31  }
0xb: {  	s7 =	sshrl.u32 s9, $0x3;
	s25 =	sadd.s32 $0xD00, s9;
	s6 =	sadd.s32 s15, s8  }
0xc: {  	s28 =	sadd.s32 $0x1A00, s9;
	s18 =	sadd.s32 $0x2700, s9;
	s13 =	sadd.s32 s7, s5  }
0xd: {  	s5 =	sadd.s32 s11, s7;
	s26 =	sshrl.u32 s25, $0x3;
	s10 =	sshll.u32 s25, $0x1  }
0xe: {  	s17 =	sshrl.u32 s28, $0x3;
	s29 =	sshrl.u32 s18, $0x3;
	s30 =	sshll.u32 s18, $0x1  }
0xf: {  	s18 =	simm.s32 $0x1;
	s7 =	sadd.s32 s11, s26;
	s8 =	sadd.s32 s15, s10  }
0x10: {  	s10 =	sshll.u32 s28, $0x1;
	s9 =	sadd.s32 s11, s17;
	s11 =	sadd.s32 s11, s29  }
0x11: {  	s12 =	sadd.s32 s15, s30;
	s13 =	sadd.s32 $0x503E00, s13;
	s17 =	simm.s32 $0xD00  }
0x12: {  	s10 =	sadd.s32 s15, s10;
	s15 =	smax.u32 s16, $0x1;
	s16 =	simm.s32 $0x2  }
.LBB2_1:
0x13: {  	[tilespmem:s2], [sflag:$0x2] =	stream.linear.gather [hbm4b:s5+s2], $0xD00, $0x38;
	[tilespmem:$0x14700] =	vst v63  }
0x14: {  	_ =	swait.ge [sflag:s16], $0xD00  }
0x15: {  	[sflag:s16] =	ssyncset.done $0x0  }
0x16: {  	[sflag:s16] =	ssyncadd.s32 $0xFFFFF300  }
0x17: {  	[tilespmem:s17], [sflag:$0x1] =	stream.indirect.gather [hbm4b:s3+s17], $0x10, s2, s17, $0xb8;
	[tilespmem:$0x14700] =	vst v63  }
0x18: {  	_ =	swait.ge [sflag:s18], $0xD000  }
0x19: {  	[sflag:s18] =	ssyncset.done $0x0  }
0x1a: {  	[sflag:s18] =	ssyncadd.s32 $0xFFFF3000  }
0x1b: {  	[hbm4b:s6+s2] =	stream.linear.scatter [tilespmem:s17], [sflag:$0x2], $0xD000, $0x38;
	[tilespmem:$0x14700] =	vst v63  }
0x1c: {  	_ =	swait.ge [sflag:s16], $0xD000  }
0x1d: {  	[sflag:s16] =	ssyncset.done $0x0  }
0x1e: {  	[sflag:s16] =	ssyncadd.s32 $0xFFFF3000  }
0x1f: {  	[tilespmem:s2], [sflag:$0x2] =	stream.linear.gather [hbm4b:s7+s2], $0xD00, $0x38;
	[tilespmem:$0x14700] =	vst v63  }
0x20: {  	_ =	swait.ge [sflag:s16], $0xD00  }
0x21: {  	[sflag:s16] =	ssyncset.done $0x0  }
0x22: {  	[sflag:s16] =	ssyncadd.s32 $0xFFFFF300  }
0x23: {  	[tilespmem:s17], [sflag:$0x1] =	stream.indirect.gather [hbm4b:s3+s17], $0x10, s2, s17, $0xb8;
	[tilespmem:$0x14700] =	vst v63  }
0x24: {  	_ =	swait.ge [sflag:s18], $0xD000  }
0x25: {  	[sflag:s18] =	ssyncset.done $0x0  }
0x26: {  	[sflag:s18] =	ssyncadd.s32 $0xFFFF3000  }
0x27: {  	[hbm4b:s8+s2] =	stream.linear.scatter [tilespmem:s17], [sflag:$0x2], $0xD000, $0x38;
	[tilespmem:$0x14700] =	vst v63  }
0x28: {  	_ =	swait.ge [sflag:s16], $0xD000  }
0x29: {  	[sflag:s16] =	ssyncset.done $0x0  }
0x2a: {  	[sflag:s16] =	ssyncadd.s32 $0xFFFF3000  }
0x2b: {  	[tilespmem:s2], [sflag:$0x2] =	stream.linear.gather [hbm4b:s9+s2], $0xD00, $0x38;
	[tilespmem:$0x14700] =	vst v63  }
0x2c: {  	_ =	swait.ge [sflag:s16], $0xD00  }
0x2d: {  	[sflag:s16] =	ssyncset.done $0x0  }
0x2e: {  	[sflag:s16] =	ssyncadd.s32 $0xFFFFF300  }
0x2f: {  	[tilespmem:s17], [sflag:$0x1] =	stream.indirect.gather [hbm4b:s3+s17], $0x10, s2, s17, $0xb8;
	[tilespmem:$0x14700] =	vst v63  }
0x30: {  	_ =	swait.ge [sflag:s18], $0xD000  }
0x31: {  	[sflag:s18] =	ssyncset.done $0x0  }
0x32: {  	[sflag:s18] =	ssyncadd.s32 $0xFFFF3000  }
0x33: {  	[hbm4b:s10+s2] =	stream.linear.scatter [tilespmem:s17], [sflag:$0x2], $0xD000, $0x38;
	[tilespmem:$0x14700] =	vst v63  }
0x34: {  	_ =	swait.ge [sflag:s16], $0xD000  }
0x35: {  	[sflag:s16] =	ssyncset.done $0x0  }
0x36: {  	[sflag:s16] =	ssyncadd.s32 $0xFFFF3000  }
0x37: {  	[tilespmem:s2], [sflag:$0x2] =	stream.linear.gather [hbm4b:s11+s2], $0xD00, $0x38;
	[tilespmem:$0x14700] =	vst v63  }
0x38: {  	_ =	swait.ge [sflag:s16], $0xD00  }
0x39: {  	[sflag:s16] =	ssyncset.done $0x0  }
0x3a: {  	[sflag:s16] =	ssyncadd.s32 $0xFFFFF300  }
0x3b: {  	[tilespmem:s17], [sflag:$0x1] =	stream.indirect.gather [hbm4b:s3+s17], $0x10, s2, s17, $0xb8;
	[tilespmem:$0x14700] =	vst v63  }
0x3c: {  	_ =	swait.ge [sflag:s18], $0xD000  }
0x3d: {  	[sflag:s18] =	ssyncset.done $0x0  }
0x3e: {  	[sflag:s18] =	ssyncadd.s32 $0xFFFF3000  }
0x3f: {  	[hbm4b:s12+s2] =	stream.linear.scatter [tilespmem:s17], [sflag:$0x2], $0xD000, $0x38;
	[tilespmem:$0x14700] =	vst v63  }
0x40: {  	_ =	swait.ge [sflag:s16], $0xD000  }
0x41: {  	[sflag:s16] =	ssyncset.done $0x0  }
0x42: {  	[sflag:s16] =	ssyncadd.s32 $0xFFFF3000  }
0x43: {  	[tilespmem:s19], [sflag:$0x2] =	stream.linear.gather [hbm4b:s13+s2], $0x3400, $0x38;
	[tilespmem:$0x14700] =	vst v63  }
0x44: {  	_ =	swait.ge [sflag:s16], $0x3400  }
0x45: {  	[sflag:s16] =	ssyncset.done $0x0  }
0x46: {  	[sflag:s16] =	ssyncadd.s32 $0xFFFFCC00  }
0x47: {  	[tilespmem:s21], [sflag:$0x1] =	stream.indirect.gather [hbm4b:s4+s20], $0x1, s19, s20, $0xb8;
	[tilespmem:$0x14700] =	vst v63  }
0x48: {  	_ =	swait.ge [sflag:s18], $0x3400  }
0x49: {  	[sflag:s18] =	ssyncset.done $0x0  }
0x4a: {  	s25 =	simm.s32 $0x0;
	[sflag:s18] =	ssyncadd.s32 $0xFFFFCC00  }
0x4b: {  	v0 =	vld [tilespmem:s25+$0x11100]  }
0x4c: {  	v1 =	vld [tilespmem:s25+$0x11300];
	_ =	sdelay $0x1  }
0x4d: {  	v2 =	vld [tilespmem:s25+$0x11500];
	_ =	sdelay $0x1  }
0x4e: {  	v3 =	vld [tilespmem:s25+$0x11700]  }
0x4f: {  	v0 =	vadd.f32 v1, v0  }
0x50: {  	v1 =	vld [tilespmem:s25+$0x11900]  }
0x51: {  	v0 =	vadd.f32 v2, v0  }
0x52: {  	v2 =	vld [tilespmem:s25+$0x11B00]  }
0x53: {  	v0 =	vadd.f32 v3, v0  }
0x54: {  	v3 =	vld [tilespmem:s25+$0x11D00]  }
0x55: {  	v0 =	vadd.f32 v1, v0  }
0x56: {  	v1 =	vld [tilespmem:s25+$0x11F00]  }
0x57: {  	v0 =	vadd.f32 v2, v0  }
0x58: {  	v2 =	vld [tilespmem:s25+$0x12100]  }
0x59: {  	v0 =	vadd.f32 v3, v0  }
0x5a: {  	v3 =	vld [tilespmem:s25+$0x12300]  }
0x5b: {  	v0 =	vadd.f32 v1, v0  }
0x5c: {  	v1 =	vld [tilespmem:s25+$0x12500]  }
0x5d: {  	v0 =	vadd.f32 v2, v0  }
0x5e: {  	v2 =	vld [tilespmem:s25+$0x12700]  }
0x5f: {  	v0 =	vadd.f32 v3, v0  }
0x60: {  	v3 =	vld [tilespmem:s25+$0x12900]  }
0x61: {  	s24 =	simm.s32 $0x10;
	v4 =	vld [tilespmem:s25+$0x12B00];
	v0 =	vadd.f32 v1, v0  }
0x62: {  	v5 =	vld [tilespmem:s24+$0x11100]  }
0x63: {  	v1 =	vld [tilespmem:s25+$0x12D00];
	v0 =	vadd.f32 v2, v0  }
0x64: {  	v2 =	vld [tilespmem:s24+$0x11300]  }
0x65: {  	v6 =	vld [tilespmem:s24+$0x11500];
	v0 =	vadd.f32 v3, v0  }
0x66: {  	v3 =	vld [tilespmem:s25+$0x12F00]  }
0x67: {  	v7 =	vld [tilespmem:s24+$0x11700];
	v0 =	vadd.f32 v4, v0  }
0x68: {  	v4 =	vld [tilespmem:s25+$0x13100]  }
0x69: {  	v2 =	vadd.f32 v2, v5;
	v5 =	vld [tilespmem:s24+$0x11900];
	v0 =	vadd.f32 v1, v0  }
0x6a: {  	v1 =	vld [tilespmem:s25+$0x13300]  }
0x6b: {  	v2 =	vadd.f32 v6, v2;
	v6 =	vld [tilespmem:s24+$0x11B00];
	v0 =	vadd.f32 v3, v0  }
0x6c: {  	v3 =	vld [tilespmem:s25+$0x13500]  }
0x6d: {  	v2 =	vadd.f32 v7, v2;
	v7 =	vld [tilespmem:s24+$0x11D00];
	v0 =	vadd.f32 v4, v0  }
0x6e: {  	v4 =	vld [tilespmem:s25+$0x13700]  }
0x6f: {  	v2 =	vadd.f32 v5, v2;
	v5 =	vld [tilespmem:s24+$0x11F00];
	v0 =	vadd.f32 v1, v0  }
0x70: {  	v1 =	vld [tilespmem:s25+$0x13900]  }
0x71: {  	v2 =	vadd.f32 v6, v2;
	v6 =	vld [tilespmem:s24+$0x12100];
	v0 =	vadd.f32 v3, v0  }
0x72: {  	v3 =	vld [tilespmem:s25+$0x13B00]  }
0x73: {  	v2 =	vadd.f32 v7, v2;
	v7 =	vld [tilespmem:s24+$0x12300];
	v0 =	vadd.f32 v4, v0  }
0x74: {  	v4 =	vld [tilespmem:s25+$0x13D00]  }
0x75: {  	v2 =	vadd.f32 v5, v2;
	v5 =	vld [tilespmem:s24+$0x12500];
	v0 =	vadd.f32 v1, v0  }
0x76: {  	v1 =	vld [tilespmem:s25+$0x13F00]  }
0x77: {  	v8 =	vld [tilespmem:s24+$0x12700];
	v2 =	vadd.f32 v6, v2;
	v0 =	vadd.f32 v3, v0  }
0x78: {  	v6 =	vld [tilespmem:s25+$0x14100]  }
0x79: {  	v3 =	vld [tilespmem:s24+$0x12900];
	v7 =	vadd.f32 v7, v2;
	v4 =	vadd.f32 v4, v0  }
0x7a: {  	v2 =	vld [tilespmem:s25+$0x14300]  }
0x7b: {  	v0 =	vld [tilespmem:s24+$0x12D00];
	v5 =	vadd.f32 v5, v7;
	v7 =	vadd.f32 v1, v4  }
0x7c: {  	s26 =	simm.s32 $0x20;
	v4 =	vld [tilespmem:s24+$0x12B00]  }
0x7d: {  	s28 =	simm.s32 $0xC0;
	v1 =	vld [tilespmem:s26+$0x11100];
	v5 =	vadd.f32 v8, v5;
	v6 =	vadd.f32 v6, v7  }
.LBB2_2:
0x7e: {  	p0 =	sne.s32 s28, $0x7C0;
	v7 =	vld [tilespmem:s26+$0x11300]  }
0x7f: {  	v3 =	vadd.f32 v3, v5;
	v5 =	vld [tilespmem:s24+$0x12F00];
	v2 =	vadd.f32 v2, v6  }
0x80: {  	v6 =	vld [tilespmem:s26+$0x11500]  }
0x81: {  	v3 =	vadd.f32 v4, v3;
	v4 =	vld [tilespmem:s24+$0x13100];
	[tilespmem:s25+$0x14500] =	vst v2;
	s25 =	smov.u32 s24;
	s24 =	smov.u32 s26  }
0x82: {  	v2 =	vld [tilespmem:s24+$0x11700]  }
0x83: {  	v1 =	vadd.f32 v7, v1;
	v0 =	vadd.f32 v0, v3;
	v3 =	vld [tilespmem:s25+$0x13300]  }
0x84: {  	v7 =	vld [tilespmem:s24+$0x11900]  }
0x85: {  	v1 =	vadd.f32 v6, v1;
	v0 =	vadd.f32 v5, v0;
	v5 =	vld [tilespmem:s25+$0x13500]  }
0x86: {  	v6 =	vld [tilespmem:s24+$0x11B00]  }
0x87: {  	v1 =	vadd.f32 v2, v1;
	v0 =	vadd.f32 v4, v0;
	v2 =	vld [tilespmem:s25+$0x13700]  }
0x88: {  	v4 =	vld [tilespmem:s24+$0x11D00]  }
0x89: {  	v1 =	vadd.f32 v7, v1;
	v0 =	vadd.f32 v3, v0;
	v3 =	vld [tilespmem:s25+$0x13900]  }
0x8a: {  	v7 =	vld [tilespmem:s24+$0x11F00]  }
0x8b: {  	v1 =	vadd.f32 v6, v1;
	v0 =	vadd.f32 v5, v0;
	v5 =	vld [tilespmem:s25+$0x13B00]  }
0x8c: {  	v6 =	vld [tilespmem:s24+$0x12100]  }
0x8d: {  	v1 =	vadd.f32 v4, v1;
	v0 =	vadd.f32 v2, v0;
	v2 =	vld [tilespmem:s25+$0x13D00]  }
0x8e: {  	v4 =	vld [tilespmem:s24+$0x12300]  }
0x8f: {  	v1 =	vadd.f32 v7, v1;
	v0 =	vadd.f32 v3, v0;
	v7 =	vld [tilespmem:s25+$0x13F00]  }
0x90: {  	v8 =	vld [tilespmem:s24+$0x12500]  }
0x91: {  	v1 =	vadd.f32 v6, v1;
	v0 =	vadd.f32 v5, v0;
	v6 =	vld [tilespmem:s25+$0x14100]  }
0x92: {  	v5 =	vld [tilespmem:s24+$0x12700]  }
.Ltmp0:
0x93: {  	v1 =	vadd.f32 v4, v1;
	v4 =	vadd.f32 v2, v0;
	v2 =	vld [tilespmem:s25+$0x14300];
	(pc) =	sbr.rel @p0 .LBB2_2-.Ltmp0, $4  }
0x94: {  	v3 =	vld [tilespmem:s24+$0x12900]  }
0x95: {  	v8 =	vadd.f32 v8, v1;
	v0 =	vld [tilespmem:s24+$0x12D00];
	v7 =	vadd.f32 v7, v4  }
0x96: {  	s26 =	sshra.s32 s28, $0x2;
	v4 =	vld [tilespmem:s24+$0x12B00]  }
0x97: {  	s28 =	sadd.s32 $0x40, s28;
	v1 =	vld [tilespmem:s26+$0x11100];
	v5 =	vadd.f32 v5, v8;
	v6 =	vadd.f32 v6, v7  }
0x98: {  	v7 =	vld [tilespmem:s26+$0x11300]  }
0x99: {  	v8 =	vld [tilespmem:s24+$0x12F00];
	v2 =	vadd.f32 v2, v6  }
0x9a: {  	v31 =	vld [tilespmem:s26+$0x11500]  }
0x9b: {  	v9 =	vld [tilespmem:s24+$0x13100];
	v3 =	vadd.f32 v3, v5;
	[tilespmem:s25+$0x14500] =	vst v2  }
0x9c: {  	v2 =	vld [tilespmem:s26+$0x11700]  }
0x9d: {  	v3 =	vadd.f32 v4, v3;
	v1 =	vadd.f32 v7, v1  }
0x9e: {  	v32 =	vld [tilespmem:s26+$0x11900]  }
0x9f: {  	v33 =	vld [tilespmem:s24+$0x13300];
	v0 =	vadd.f32 v0, v3;
	v1 =	vadd.f32 v31, v1  }
0xa0: {  	v34 =	vld [tilespmem:s26+$0x11B00]  }
0xa1: {  	v35 =	vld [tilespmem:s24+$0x13500];
	v0 =	vadd.f32 v8, v0;
	v1 =	vadd.f32 v2, v1  }
0xa2: {  	v36 =	vld [tilespmem:s26+$0x11D00]  }
0xa3: {  	v37 =	vld [tilespmem:s24+$0x13700];
	v0 =	vadd.f32 v9, v0;
	v1 =	vadd.f32 v32, v1  }
0xa4: {  	v38 =	vld [tilespmem:s26+$0x11F00]  }
0xa5: {  	v39 =	vld [tilespmem:s24+$0x13900];
	v0 =	vadd.f32 v33, v0;
	v1 =	vadd.f32 v34, v1  }
0xa6: {  	v40 =	vld [tilespmem:s26+$0x12100]  }
0xa7: {  	v41 =	vld [tilespmem:s24+$0x13B00];
	v0 =	vadd.f32 v35, v0;
	v1 =	vadd.f32 v36, v1  }
0xa8: {  	v42 =	vld [tilespmem:s26+$0x12300]  }
0xa9: {  	v43 =	vld [tilespmem:s24+$0x13D00];
	v0 =	vadd.f32 v37, v0;
	v1 =	vadd.f32 v38, v1  }
0xaa: {  	v44 =	vld [tilespmem:s26+$0x12500]  }
0xab: {  	v45 =	vld [tilespmem:s24+$0x13F00];
	v0 =	vadd.f32 v39, v0;
	v1 =	vadd.f32 v40, v1  }
0xac: {  	v46 =	vld [tilespmem:s26+$0x12700]  }
0xad: {  	v47 =	vld [tilespmem:s24+$0x14100];
	v0 =	vadd.f32 v41, v0;
	v1 =	vadd.f32 v42, v1  }
0xae: {  	v48 =	vld [tilespmem:s26+$0x12900]  }
0xaf: {  	v49 =	vld [tilespmem:s24+$0x14300];
	v0 =	vadd.f32 v43, v0;
	v1 =	vadd.f32 v44, v1  }
0xb0: {  	v50 =	vld [tilespmem:s26+$0x12B00]  }
0xb1: {  	v0 =	vadd.f32 v45, v0;
	v1 =	vadd.f32 v46, v1  }
0xb2: {  	v51 =	vld [tilespmem:s26+$0x12D00]  }
0xb3: {  	v0 =	vadd.f32 v47, v0;
	v1 =	vadd.f32 v48, v1  }
0xb4: {  	v52 =	vld [tilespmem:s26+$0x12F00]  }
0xb5: {  	v0 =	vadd.f32 v49, v0;
	v1 =	vadd.f32 v50, v1  }
0xb6: {  	v53 =	vld [tilespmem:s26+$0x13100]  }
0xb7: {  	[tilespmem:s24+$0x14500] =	vst v0;
	v54 =	vadd.f32 v51, v1  }
0xb8: {  	v55 =	vld [tilespmem:s26+$0x13300]  }
0xb9: {  	v0 =	vadd.f32 v52, v54  }
0xba: {  	v56 =	vld [tilespmem:s26+$0x13500]  }
0xbb: {  	v0 =	vadd.f32 v53, v0  }
0xbc: {  	v57 =	vld [tilespmem:s26+$0x13700]  }
0xbd: {  	v0 =	vadd.f32 v55, v0  }
0xbe: {  	v58 =	vld [tilespmem:s26+$0x13900]  }
0xbf: {  	v0 =	vadd.f32 v56, v0  }
0xc0: {  	v59 =	vld [tilespmem:s26+$0x13B00]  }
0xc1: {  	v0 =	vadd.f32 v57, v0  }
0xc2: {  	v60 =	vld [tilespmem:s26+$0x13D00]  }
0xc3: {  	v0 =	vadd.f32 v58, v0  }
0xc4: {  	v61 =	vld [tilespmem:s26+$0x13F00]  }
0xc5: {  	v0 =	vadd.f32 v59, v0  }
0xc6: {  	v62 =	vld [tilespmem:s26+$0x14100]  }
0xc7: {  	v0 =	vadd.f32 v60, v0  }
0xc8: {  	v63 =	vld [tilespmem:s26+$0x14300]  }
0xc9: {  	v0 =	vadd.f32 v61, v0;
	_ =	sdelay $0x1  }
0xca: {  	v0 =	vadd.f32 v62, v0;
	_ =	sdelay $0x1  }
0xcb: {  	s23 =	sadd.s32 $0x1, s23;
	v0 =	vadd.f32 v63, v0  }
0xcc: {  	p0 =	sne.s32 s23, s15  }
.Ltmp1:
0xcd: {  	[tilespmem:s26+$0x14500] =	vst v0;
	(pc) =	sbr.rel @p0 .LBB2_1-.Ltmp1, $4  }
0xce: {  	[hbm4b:s14+s2] =	stream.linear.scatter [tilespmem:s22], [sflag:$0x2], $0x200, $0x38;
	[tilespmem:$0x14700] =	vst v63  }
0xcf: {  	_ =	swait.ge [sflag:s16], $0x200  }
0xd0: {  	[sflag:s16] =	ssyncset.done $0x0  }
0xd1: {  	[sflag:s16] =	ssyncadd.s32 $0xFFFFFE00  }
0xd2: {  	_ =	sfence.sel $0x180000  }
0xd3: {  	[bflag:$0x0] =	sbarrier.arrive $0xFFFF  }
0xd4: {  	p0 =	sne.s32 s0, $0x0;
	_ =	strace $0x9000004A  }
0xd5: {  	s0 =	sadd.s32 @!p0 $0x100000, s1;
	[bflag:$0x2] =	sbarrier.arrive $0xFFFF  }
0xd6: {  	[sflag:s0] =	ssyncadd.tile.s32 @!p0 $0x1;
	_ =	shalt  }
.Lfunc_end2:
_tile_overlayer_lowered:
.L_overlay_start_2:
0xd7: {  	(tag) =	ssettag $0x2  }
0xd8: {  	s0 =	rddreg [dreg:$0x0];
	s2 =	stileid.u32  }
0xd9: {  	s1 =	rddreg [dreg:$0x1];
	p0 =	sne.s32 s2, $0x0  }
0xda: {  	s3 =	rddreg [dreg:$0x2];
	[bflag:$0x3] =	sbarrier.arrive $0xFFFF;
	s2 =	simm.s32 @!p0 $0x1C02  }
0xdb: {  	[timem:s3], [sflag:s2] =	dma.local @!p0 [hbm:s0], s1  }
0xdc: {  	s0 =	simm.s32 @!p0 $0x2  }
0xdd: {  	_ =	swait.ge @!p0 [sflag:s0], s1  }
0xde: {  	s1 =	ssub.s32 @!p0 $0x0, s1;
	[sflag:s0] =	ssyncset.done @!p0 $0x0  }
0xdf: {  	[sflag:s0] =	ssyncadd.s32 @!p0 s1  }
0xe0: {  	[bflag:$0x3] =	sbarrier.arrive $0xFFFF  }
0xe1: {  	_ =	shalt  }

</sc_bundles>
